<compile_context>
chip_gen: v7x
topology: tpu7x:2x2x1
jax: 0.10.2.dev20260603
libtpu: 0.0.44.dev20260713+nightly
codegen_flags: <defaults>
</compile_context>

<pallas_src>
import functools

import jax
import jax.numpy as jnp
from jax import lax
from jax.experimental import pallas as pl
from jax.experimental.pallas import tpu as pltpu
from jax.experimental.pallas import tpu_sc as plsc

_NUM_CORES = 2
_NUM_SUBCORES = 16
_NW = _NUM_CORES * _NUM_SUBCORES

_CHUNK = 128
_LANES = 16


@functools.partial(jax.jit, static_argnames=("hist", "batch", "dim"))
def _sc_gather(table, xt, *, hist, batch, dim):
    chunks = hist

    mesh = plsc.VectorSubcoreMesh(
        core_axis_name="c", subcore_axis_name="s", num_cores=_NUM_CORES
    )

    @functools.partial(
        pl.kernel,
        mesh=mesh,
        compiler_params=pltpu.CompilerParams(
            use_tc_tiling_on_sc=False, needs_layout_passes=False
        ),
        out_type=jax.ShapeDtypeStruct(
            (hist, dim // 8, batch // _CHUNK, 8, _CHUNK), table.dtype
        ),
        scratch_types=(
            [pltpu.VMEM((hist, _CHUNK), jnp.int32)]
            + [pltpu.VMEM((_CHUNK, dim), table.dtype) for _ in range(2)]
            + [pltpu.VMEM((dim // 8, 8, _CHUNK + 1), table.dtype) for _ in range(2)]
            + [pltpu.SemaphoreType.DMA for _ in range(4)]
        ),
    )
    def run(table_hbm, xt_hbm, out_hbm, x_v, *rest):
        bufs = rest[0:2]
        stagings = rest[2:4]
        gsems = rest[4:6]
        osems = rest[6:8]

        wid = lax.axis_index("s") * _NUM_CORES + lax.axis_index("c")
        col = pl.multiple_of(wid * _CHUNK, 8)
        pltpu.sync_copy(xt_hbm.at[:, pl.ds(col, _CHUNK)], x_v)

        def gather(o, b):
            return pltpu.make_async_copy(
                table_hbm.at[x_v.at[o]], bufs[b], gsems[b]
            )

        def transpose(b):
            dvs = [
                lax.iota(jnp.int32, _LANES) + g * _LANES
                for g in range(dim // _LANES)
            ]
            dhis = [dv >> 3 for dv in dvs]
            dlos = [lax.bitwise_and(dv, 7) for dv in dvs]

            def kbody(k, _):
                kv = jnp.full((_LANES,), 0, jnp.int32) + k
                for g in range(dim // _LANES):
                    vals = plsc.load_gather(bufs[b], [kv, dvs[g]])
                    plsc.store_scatter(stagings[b], [dhis[g], dlos[g], kv], vals)
                return 0

            lax.fori_loop(0, _CHUNK, kbody, 0, unroll=8)

        def out_copy(o, b):
            return pltpu.make_async_copy(
                stagings[b].at[:, :, pl.ds(0, _CHUNK)],
                out_hbm.at[o, :, wid],
                osems[b],
            )

        gather(0, 0).start()

        def step(o, b):
            gather(o, b).wait()

            @pl.when(o + 1 < chunks)
            def _():
                gather(o + 1, 1 - b).start()

            @pl.when(o >= 2)
            def _():
                out_copy(o - 2, b).wait()

            transpose(b)
            out_copy(o, b).start()

        def pair(oo, carry):
            o = oo * 2
            step(o, 0)
            step(o + 1, 1)
            return carry

        lax.fori_loop(0, chunks // 2, pair, 0)
        out_copy(chunks - 2, 0).wait()
        out_copy(chunks - 1, 1).wait()

    return run(table, xt)


def kernel(x, lengths, table):
    del lengths
    batch, hist = x.shape
    vocab, dim = table.shape
    xt = x.T.astype(jnp.int32)
    out = _sc_gather(table, xt, hist=hist, batch=batch, dim=dim)
    return out.transpose(2, 4, 0, 1, 3).reshape(batch, hist, dim)

# --- scband reference (transcript-rebuilt; emitter-appended) ---
"""Pipeline reference for scband-posterior-base-encoder-84748294684750 (READ-ONLY COPY).

The authoritative reference and input builder live on the scoring server;
editing this copy changes nothing except your own understanding.
"""

import jax, jax.numpy as jnp
import numpy as np

VOCAB = 1000000
WORD_DIM = 64
BATCH = 4096
HIST = 200

def setup_inputs(seed: int = 0) -> dict:
    key = jax.random.key(seed)
    k1, k2, k3 = jax.random.split(key, 3)
    x = jax.random.randint(k1, (BATCH, HIST), 0, VOCAB, dtype=jnp.int64 if jax.config.read('jax_enable_x64') else jnp.int32)
    lengths = jax.random.randint(k2, (BATCH,), 1, HIST, dtype=jnp.int32)
    table = jax.random.normal(k3, (VOCAB, WORD_DIM), dtype=jnp.float32) * 0.02
    return {"x": x, "lengths": lengths, "table": table}

def reference(x, lengths, table):
    # Faithful translation of nn.Embedding lookup in PosteriorBaseEncoder:
    # embedded = self.word_embedding(x)  -> gather rows of the table.
    # lengths is carried through (used by subclasses for packing); it does not
    # alter the embedding gather itself.
    embedded = jnp.take(table, x, axis=0)  # [B, L, word_dim]
    return embedded

if __name__ == "__main__":
    import jax
    _d = setup_inputs()
    print(jax.jit(kernel)(*tuple(_d.values())))

</pallas_src>

<mosaic_0001>
#map = affine_map<(d0, d1) -> (0, 0)>
#map1 = affine_map<(d0, d1) -> (0, 0, 0, 0, 0)>
module attributes {stable_mosaic.version = 14 : i64} {
  func.func @run(%arg0: i32, %arg1: i32, %arg2: memref<1000000x64xf32, #tpu.memory_space<hbm>>, %arg3: memref<200x4096xi32, #tpu.memory_space<hbm>>, %arg4: memref<200x8x32x8x128xf32, #tpu.memory_space<hbm>>, %arg5: memref<200x128xi32, #tpu.memory_space<vmem>>, %arg6: memref<128x64xf32, #tpu.memory_space<vmem>>, %arg7: memref<128x64xf32, #tpu.memory_space<vmem>>, %arg8: memref<8x8x129xf32, #tpu.memory_space<vmem>>, %arg9: memref<8x8x129xf32, #tpu.memory_space<vmem>>, %arg10: memref<!tpu.dma_semaphore, #tpu.memory_space<semaphore_mem>>, %arg11: memref<!tpu.dma_semaphore, #tpu.memory_space<semaphore_mem>>, %arg12: memref<!tpu.dma_semaphore, #tpu.memory_space<semaphore_mem>>, %arg13: memref<!tpu.dma_semaphore, #tpu.memory_space<semaphore_mem>>) attributes {dimension_semantics = [#tpu.dimension_semantics<core_parallel>, #tpu.dimension_semantics<subcore_parallel>], iteration_bounds = array<i64: 2, 16>, scalar_prefetch = 0 : i64, scratch_operands = 9 : i64, tpu.core_type = #tpu.core_type<sc_vector_subcore>, window_params = [{transform_indices = #map}, {transform_indices = #map}, {transform_indices = #map1}]} {
    %mul3A = arith.constant 2 : i32
    %mul3A_0 = arith.muli %arg1, %mul3A : i32
    %add3A = arith.addi %mul3A_0, %arg0 : i32
    %mul3A_1 = arith.constant 128 : i32
    %mul3A_2 = arith.muli %add3A, %mul3A_1 : i32
    %multiple_of3A = tpu.assume_multiple %mul3A_2, 8 : i32
    "tpu.region"() ({
      %run_scoped3A = tpu.sem_alloc : memref<!tpu.dma_semaphore, #tpu.memory_space<semaphore_mem>>
      %dma_start3A_51 = arith.constant 0 : i32
      %dma_start3A_52 = tpu.memref_slice %arg3[%dma_start3A_51, %multiple_of3A] : memref<200x4096xi32, #tpu.memory_space<hbm>> -> memref<200x128xi32, #tpu.memory_space<hbm>>
      %dma_start3A_53 = arith.constant 0 : i32
      %dma_start3A_54 = tpu.memref_slice %arg3[%dma_start3A_53, %multiple_of3A] : memref<200x4096xi32, #tpu.memory_space<hbm>> -> memref<200x128xi32, #tpu.memory_space<hbm>>
      tpu.enqueue_dma source(%dma_start3A_54 : memref<200x128xi32, #tpu.memory_space<hbm>>) target(%arg5 : memref<200x128xi32, #tpu.memory_space<vmem>>) target_semaphore(%run_scoped3A : memref<!tpu.dma_semaphore, #tpu.memory_space<semaphore_mem>>)
      %dma_wait3A_55 = arith.constant 0 : i32
      %dma_wait3A_56 = tpu.memref_slice %arg3[%dma_wait3A_55, %multiple_of3A] : memref<200x4096xi32, #tpu.memory_space<hbm>> -> memref<200x128xi32, #tpu.memory_space<hbm>>
      %dma_wait3A_57 = arith.constant 0 : i32
      %dma_wait3A_58 = tpu.memref_slice %arg3[%dma_wait3A_57, %multiple_of3A] : memref<200x4096xi32, #tpu.memory_space<hbm>> -> memref<200x128xi32, #tpu.memory_space<hbm>>
      tpu.wait_dma2 semaphore(%run_scoped3A : memref<!tpu.dma_semaphore, #tpu.memory_space<semaphore_mem>>) src(%dma_wait3A_58 : memref<200x128xi32, #tpu.memory_space<hbm>>) dst(%arg5 : memref<200x128xi32, #tpu.memory_space<vmem>>)
      tpu.yield
    }) : () -> ()
    %dma_start3A = arith.constant 0 : i32
    %dma_start3A_3 = arith.constant 0 : i32
    %dma_start3A_4 = tpu.memref_slice %arg5[%dma_start3A, %dma_start3A_3] : memref<200x128xi32, #tpu.memory_space<vmem>> -> memref<1x128xi32, #tpu.memory_space<vmem>>
    %dma_start3A_5 = tpu.memref_squeeze %dma_start3A_4 : memref<1x128xi32, #tpu.memory_space<vmem>> -> memref<128xi32, #tpu.memory_space<vmem>>
    %dma_start3A_6 = arith.constant 0 : i32
    %dma_start3A_7 = arith.constant 0 : i32
    %dma_start3A_8 = tpu.memref_slice %arg2[%dma_start3A_6, %dma_start3A_7] : memref<1000000x64xf32, #tpu.memory_space<hbm>> -> memref<1000000x64xf32, #tpu.memory_space<hbm>>
    tpu.enqueue_indirect_dma source(%dma_start3A_8 : memref<1000000x64xf32, #tpu.memory_space<hbm>>) target(%arg6 : memref<128x64xf32, #tpu.memory_space<vmem>>) offsets(%dma_start3A_5 : memref<128xi32, #tpu.memory_space<vmem>>) semaphore(%arg10 : memref<!tpu.dma_semaphore, #tpu.memory_space<semaphore_mem>>)
    %scan3A = arith.constant 0 : i32
    %scan3A_9 = arith.constant 0 : i32
    %scan3A_10 = arith.constant 100 : i32
    %scan3A_11 = arith.addi %scan3A_9, %scan3A_10 : i32
    %scan3A_12 = arith.constant 1 : i32
    scf.for %scan3A_51 = %scan3A_9 to %scan3A_11 step %scan3A_12  : i32 {
      %mul3A_52 = arith.constant 2 : i32
      %mul3A_53 = arith.muli %scan3A_51, %mul3A_52 : i32
      %dma_wait3A_54 = arith.constant 0 : i32
      %dma_wait3A_55 = tpu.memref_slice %arg5[%mul3A_53, %dma_wait3A_54] : memref<200x128xi32, #tpu.memory_space<vmem>> -> memref<1x128xi32, #tpu.memory_space<vmem>>
      %dma_wait3A_56 = tpu.memref_squeeze %dma_wait3A_55 : memref<1x128xi32, #tpu.memory_space<vmem>> -> memref<128xi32, #tpu.memory_space<vmem>>
      %dma_wait3A_57 = arith.constant 0 : i32
      %dma_wait3A_58 = arith.constant 0 : i32
      %dma_wait3A_59 = tpu.memref_slice %arg2[%dma_wait3A_57, %dma_wait3A_58] : memref<1000000x64xf32, #tpu.memory_space<hbm>> -> memref<1000000x64xf32, #tpu.memory_space<hbm>>
      tpu.wait_indirect_dma semaphore(%arg10 : memref<!tpu.dma_semaphore, #tpu.memory_space<semaphore_mem>>) src(%dma_wait3A_59 : memref<1000000x64xf32, #tpu.memory_space<hbm>>) dst(%arg6 : memref<128x64xf32, #tpu.memory_space<vmem>>)
      %add3A_60 = arith.constant 1 : i32
      %add3A_61 = arith.addi %mul3A_53, %add3A_60 : i32
      %lt3A = arith.constant 200 : i32
      %lt3A_62 = arith.cmpi slt, %add3A_61, %lt3A : i32
      %convert_element_type3A = arith.extui %lt3A_62 : i1 to i32
      %cond3A = arith.constant 0 : i32
      %cond3A_63 = arith.cmpi ne, %convert_element_type3A, %cond3A : i32
      scf.if %cond3A_63 {
        %add3A_215 = arith.constant 1 : i32
        %add3A_216 = arith.addi %mul3A_53, %add3A_215 : i32
        %dma_start3A_217 = arith.constant 0 : i32
        %dma_start3A_218 = tpu.memref_slice %arg5[%add3A_216, %dma_start3A_217] : memref<200x128xi32, #tpu.memory_space<vmem>> -> memref<1x128xi32, #tpu.memory_space<vmem>>
        %dma_start3A_219 = tpu.memref_squeeze %dma_start3A_218 : memref<1x128xi32, #tpu.memory_space<vmem>> -> memref<128xi32, #tpu.memory_space<vmem>>
        %dma_start3A_220 = arith.constant 0 : i32
        %dma_start3A_221 = arith.constant 0 : i32
        %dma_start3A_222 = tpu.memref_slice %arg2[%dma_start3A_220, %dma_start3A_221] : memref<1000000x64xf32, #tpu.memory_space<hbm>> -> memref<1000000x64xf32, #tpu.memory_space<hbm>>
        tpu.enqueue_indirect_dma source(%dma_start3A_222 : memref<1000000x64xf32, #tpu.memory_space<hbm>>) target(%arg7 : memref<128x64xf32, #tpu.memory_space<vmem>>) offsets(%dma_start3A_219 : memref<128xi32, #tpu.memory_space<vmem>>) semaphore(%arg11 : memref<!tpu.dma_semaphore, #tpu.memory_space<semaphore_mem>>)
      } else {
      }
      %ge3A = arith.constant 2 : i32
      %ge3A_64 = arith.cmpi sge, %mul3A_53, %ge3A : i32
      %convert_element_type3A_65 = arith.extui %ge3A_64 : i1 to i32
      %cond3A_66 = arith.constant 0 : i32
      %cond3A_67 = arith.cmpi ne, %convert_element_type3A_65, %cond3A_66 : i32
      scf.if %cond3A_67 {
        %sub3A = arith.constant 2 : i32
        %sub3A_215 = arith.subi %mul3A_53, %sub3A : i32
        %dma_wait3A_216 = arith.constant 0 : i32
        %dma_wait3A_217 = arith.constant 0 : i32
        %dma_wait3A_218 = arith.constant 0 : i32
        %dma_wait3A_219 = tpu.memref_slice %arg8[%dma_wait3A_216, %dma_wait3A_217, %dma_wait3A_218] : memref<8x8x129xf32, #tpu.memory_space<vmem>> -> memref<8x8x128xf32, #tpu.memory_space<vmem>>
        %dma_wait3A_220 = arith.constant 0 : i32
        %dma_wait3A_221 = arith.constant 0 : i32
        %dma_wait3A_222 = arith.constant 0 : i32
        %dma_wait3A_223 = tpu.memref_slice %arg4[%sub3A_215, %dma_wait3A_220, %add3A, %dma_wait3A_221, %dma_wait3A_222] : memref<200x8x32x8x128xf32, #tpu.memory_space<hbm>> -> memref<1x8x1x8x128xf32, #tpu.memory_space<hbm>>
        %dma_wait3A_224 = tpu.memref_squeeze %dma_wait3A_223 : memref<1x8x1x8x128xf32, #tpu.memory_space<hbm>> -> memref<8x8x128xf32, #tpu.memory_space<hbm>>
        %dma_wait3A_225 = arith.constant 0 : i32
        %dma_wait3A_226 = arith.constant 0 : i32
        %dma_wait3A_227 = arith.constant 0 : i32
        %dma_wait3A_228 = tpu.memref_slice %arg4[%sub3A_215, %dma_wait3A_225, %add3A, %dma_wait3A_226, %dma_wait3A_227] : memref<200x8x32x8x128xf32, #tpu.memory_space<hbm>> -> memref<1x8x1x8x128xf32, #tpu.memory_space<hbm>>
        %dma_wait3A_229 = tpu.memref_squeeze %dma_wait3A_228 : memref<1x8x1x8x128xf32, #tpu.memory_space<hbm>> -> memref<8x8x128xf32, #tpu.memory_space<hbm>>
        %dma_wait3A_230 = arith.constant 0 : i32
        %dma_wait3A_231 = arith.constant 0 : i32
        %dma_wait3A_232 = arith.constant 0 : i32
        %dma_wait3A_233 = tpu.memref_slice %arg8[%dma_wait3A_230, %dma_wait3A_231, %dma_wait3A_232] : memref<8x8x129xf32, #tpu.memory_space<vmem>> -> memref<8x8x128xf32, #tpu.memory_space<vmem>>
        tpu.wait_dma2 semaphore(%arg12 : memref<!tpu.dma_semaphore, #tpu.memory_space<semaphore_mem>>) src(%dma_wait3A_233 : memref<8x8x128xf32, #tpu.memory_space<vmem>>) dst(%dma_wait3A_229 : memref<8x8x128xf32, #tpu.memory_space<hbm>>)
      } else {
      }
      %iota3A = tpu.iota {dimensions = array<i32: 0>} : vector<16xi32>
      %add3A_68 = arith.constant 0 : i32
      %add3A_69 = vector.broadcast %add3A_68 : i32 to vector<16xi32>
      %add3A_70 = arith.addi %iota3A, %add3A_69 : vector<16xi32>
      %iota3A_71 = tpu.iota {dimensions = array<i32: 0>} : vector<16xi32>
      %add3A_72 = arith.constant 16 : i32
      %add3A_73 = vector.broadcast %add3A_72 : i32 to vector<16xi32>
      %add3A_74 = arith.addi %iota3A_71, %add3A_73 : vector<16xi32>
      %iota3A_75 = tpu.iota {dimensions = array<i32: 0>} : vector<16xi32>
      %add3A_76 = arith.constant 32 : i32
      %add3A_77 = vector.broadcast %add3A_76 : i32 to vector<16xi32>
      %add3A_78 = arith.addi %iota3A_75, %add3A_77 : vector<16xi32>
      %iota3A_79 = tpu.iota {dimensions = array<i32: 0>} : vector<16xi32>
      %add3A_80 = arith.constant 48 : i32
      %add3A_81 = vector.broadcast %add3A_80 : i32 to vector<16xi32>
      %add3A_82 = arith.addi %iota3A_79, %add3A_81 : vector<16xi32>
      %shift_right_arithmetic3A = arith.constant 3 : i32
      %shift_right_arithmetic3A_83 = vector.broadcast %shift_right_arithmetic3A : i32 to vector<16xi32>
      %shift_right_arithmetic3A_84 = arith.shrsi %add3A_70, %shift_right_arithmetic3A_83 : vector<16xi32>
      %shift_right_arithmetic3A_85 = arith.constant 3 : i32
      %shift_right_arithmetic3A_86 = vector.broadcast %shift_right_arithmetic3A_85 : i32 to vector<16xi32>
      %shift_right_arithmetic3A_87 = arith.shrsi %add3A_74, %shift_right_arithmetic3A_86 : vector<16xi32>
      %shift_right_arithmetic3A_88 = arith.constant 3 : i32
      %shift_right_arithmetic3A_89 = vector.broadcast %shift_right_arithmetic3A_88 : i32 to vector<16xi32>
      %shift_right_arithmetic3A_90 = arith.shrsi %add3A_78, %shift_right_arithmetic3A_89 : vector<16xi32>
      %shift_right_arithmetic3A_91 = arith.constant 3 : i32
      %shift_right_arithmetic3A_92 = vector.broadcast %shift_right_arithmetic3A_91 : i32 to vector<16xi32>
      %shift_right_arithmetic3A_93 = arith.shrsi %add3A_82, %shift_right_arithmetic3A_92 : vector<16xi32>
      %and3A = arith.constant 7 : i32
      %and3A_94 = vector.broadcast %and3A : i32 to vector<16xi32>
      %and3A_95 = arith.andi %add3A_70, %and3A_94 : vector<16xi32>
      %and3A_96 = arith.constant 7 : i32
      %and3A_97 = vector.broadcast %and3A_96 : i32 to vector<16xi32>
      %and3A_98 = arith.andi %add3A_74, %and3A_97 : vector<16xi32>
      %and3A_99 = arith.constant 7 : i32
      %and3A_100 = vector.broadcast %and3A_99 : i32 to vector<16xi32>
      %and3A_101 = arith.andi %add3A_78, %and3A_100 : vector<16xi32>
      %and3A_102 = arith.constant 7 : i32
      %and3A_103 = vector.broadcast %and3A_102 : i32 to vector<16xi32>
      %and3A_104 = arith.andi %add3A_82, %and3A_103 : vector<16xi32>
      %scan3A_105 = arith.constant 0 : i32
      %scan3A_106 = arith.constant 0 : i32
      %scan3A_107 = arith.constant 128 : i32
      %scan3A_108 = arith.addi %scan3A_106, %scan3A_107 : i32
      %scan3A_109 = arith.constant 8 : i32
      %scan3A_110 = scf.for %scan3A_215 = %scan3A_106 to %scan3A_108 step %scan3A_109 iter_args(%scan3A_216 = %scan3A_105) -> (i32)  : i32 {
        %broadcast_in_dim3A = arith.constant 0 : i32
        %broadcast_in_dim3A_217 = vector.broadcast %broadcast_in_dim3A : i32 to vector<16xi32>
        %add3A_218 = vector.broadcast %scan3A_215 : i32 to vector<16xi32>
        %add3A_219 = arith.addi %broadcast_in_dim3A_217, %add3A_218 : vector<16xi32>
        %gather3A = tpu.vector_load_idx %arg6[%add3A_219, %add3A_70] : memref<128x64xf32, #tpu.memory_space<vmem>>[vector<16xi32>, vector<16xi32>], vector<16xf32>,
        tpu.vector_store_idx %arg8[%shift_right_arithmetic3A_84, %and3A_95, %add3A_219], %gather3A : memref<8x8x129xf32, #tpu.memory_space<vmem>>[vector<16xi32>, vector<16xi32>, vector<16xi32>], vector<16xf32>,
        %gather3A_220 = tpu.vector_load_idx %arg6[%add3A_219, %add3A_74] : memref<128x64xf32, #tpu.memory_space<vmem>>[vector<16xi32>, vector<16xi32>], vector<16xf32>,
        tpu.vector_store_idx %arg8[%shift_right_arithmetic3A_87, %and3A_98, %add3A_219], %gather3A_220 : memref<8x8x129xf32, #tpu.memory_space<vmem>>[vector<16xi32>, vector<16xi32>, vector<16xi32>], vector<16xf32>,
        %gather3A_221 = tpu.vector_load_idx %arg6[%add3A_219, %add3A_78] : memref<128x64xf32, #tpu.memory_space<vmem>>[vector<16xi32>, vector<16xi32>], vector<16xf32>,
        tpu.vector_store_idx %arg8[%shift_right_arithmetic3A_90, %and3A_101, %add3A_219], %gather3A_221 : memref<8x8x129xf32, #tpu.memory_space<vmem>>[vector<16xi32>, vector<16xi32>, vector<16xi32>], vector<16xf32>,
        %gather3A_222 = tpu.vector_load_idx %arg6[%add3A_219, %add3A_82] : memref<128x64xf32, #tpu.memory_space<vmem>>[vector<16xi32>, vector<16xi32>], vector<16xf32>,
        tpu.vector_store_idx %arg8[%shift_right_arithmetic3A_93, %and3A_104, %add3A_219], %gather3A_222 : memref<8x8x129xf32, #tpu.memory_space<vmem>>[vector<16xi32>, vector<16xi32>, vector<16xi32>], vector<16xf32>,
        %scan3A_223 = arith.constant 0 : i32
        %scan3A_224 = arith.constant 1 : i32
        %scan3A_225 = arith.addi %scan3A_215, %scan3A_224 : i32
        %broadcast_in_dim3A_226 = arith.constant 0 : i32
        %broadcast_in_dim3A_227 = vector.broadcast %broadcast_in_dim3A_226 : i32 to vector<16xi32>
        %add3A_228 = vector.broadcast %scan3A_225 : i32 to vector<16xi32>
        %add3A_229 = arith.addi %broadcast_in_dim3A_227, %add3A_228 : vector<16xi32>
        %gather3A_230 = tpu.vector_load_idx %arg6[%add3A_229, %add3A_70] : memref<128x64xf32, #tpu.memory_space<vmem>>[vector<16xi32>, vector<16xi32>], vector<16xf32>,
        tpu.vector_store_idx %arg8[%shift_right_arithmetic3A_84, %and3A_95, %add3A_229], %gather3A_230 : memref<8x8x129xf32, #tpu.memory_space<vmem>>[vector<16xi32>, vector<16xi32>, vector<16xi32>], vector<16xf32>,
        %gather3A_231 = tpu.vector_load_idx %arg6[%add3A_229, %add3A_74] : memref<128x64xf32, #tpu.memory_space<vmem>>[vector<16xi32>, vector<16xi32>], vector<16xf32>,
        tpu.vector_store_idx %arg8[%shift_right_arithmetic3A_87, %and3A_98, %add3A_229], %gather3A_231 : memref<8x8x129xf32, #tpu.memory_space<vmem>>[vector<16xi32>, vector<16xi32>, vector<16xi32>], vector<16xf32>,
        %gather3A_232 = tpu.vector_load_idx %arg6[%add3A_229, %add3A_78] : memref<128x64xf32, #tpu.memory_space<vmem>>[vector<16xi32>, vector<16xi32>], vector<16xf32>,
        tpu.vector_store_idx %arg8[%shift_right_arithmetic3A_90, %and3A_101, %add3A_229], %gather3A_232 : memref<8x8x129xf32, #tpu.memory_space<vmem>>[vector<16xi32>, vector<16xi32>, vector<16xi32>], vector<16xf32>,
        %gather3A_233 = tpu.vector_load_idx %arg6[%add3A_229, %add3A_82] : memref<128x64xf32, #tpu.memory_space<vmem>>[vector<16xi32>, vector<16xi32>], vector<16xf32>,
        tpu.vector_store_idx %arg8[%shift_right_arithmetic3A_93, %and3A_104, %add3A_229], %gather3A_233 : memref<8x8x129xf32, #tpu.memory_space<vmem>>[vector<16xi32>, vector<16xi32>, vector<16xi32>], vector<16xf32>,
        %scan3A_234 = arith.constant 0 : i32
        %scan3A_235 = arith.constant 2 : i32
        %scan3A_236 = arith.addi %scan3A_215, %scan3A_235 : i32
        %broadcast_in_dim3A_237 = arith.constant 0 : i32
        %broadcast_in_dim3A_238 = vector.broadcast %broadcast_in_dim3A_237 : i32 to vector<16xi32>
        %add3A_239 = vector.broadcast %scan3A_236 : i32 to vector<16xi32>
        %add3A_240 = arith.addi %broadcast_in_dim3A_238, %add3A_239 : vector<16xi32>
        %gather3A_241 = tpu.vector_load_idx %arg6[%add3A_240, %add3A_70] : memref<128x64xf32, #tpu.memory_space<vmem>>[vector<16xi32>, vector<16xi32>], vector<16xf32>,
        tpu.vector_store_idx %arg8[%shift_right_arithmetic3A_84, %and3A_95, %add3A_240], %gather3A_241 : memref<8x8x129xf32, #tpu.memory_space<vmem>>[vector<16xi32>, vector<16xi32>, vector<16xi32>], vector<16xf32>,
        %gather3A_242 = tpu.vector_load_idx %arg6[%add3A_240, %add3A_74] : memref<128x64xf32, #tpu.memory_space<vmem>>[vector<16xi32>, vector<16xi32>], vector<16xf32>,
        tpu.vector_store_idx %arg8[%shift_right_arithmetic3A_87, %and3A_98, %add3A_240], %gather3A_242 : memref<8x8x129xf32, #tpu.memory_space<vmem>>[vector<16xi32>, vector<16xi32>, vector<16xi32>], vector<16xf32>,
        %gather3A_243 = tpu.vector_load_idx %arg6[%add3A_240, %add3A_78] : memref<128x64xf32, #tpu.memory_space<vmem>>[vector<16xi32>, vector<16xi32>], vector<16xf32>,
        tpu.vector_store_idx %arg8[%shift_right_arithmetic3A_90, %and3A_101, %add3A_240], %gather3A_243 : memref<8x8x129xf32, #tpu.memory_space<vmem>>[vector<16xi32>, vector<16xi32>, vector<16xi32>], vector<16xf32>,
        %gather3A_244 = tpu.vector_load_idx %arg6[%add3A_240, %add3A_82] : memref<128x64xf32, #tpu.memory_space<vmem>>[vector<16xi32>, vector<16xi32>], vector<16xf32>,
        tpu.vector_store_idx %arg8[%shift_right_arithmetic3A_93, %and3A_104, %add3A_240], %gather3A_244 : memref<8x8x129xf32, #tpu.memory_space<vmem>>[vector<16xi32>, vector<16xi32>, vector<16xi32>], vector<16xf32>,
        %scan3A_245 = arith.constant 0 : i32
        %scan3A_246 = arith.constant 3 : i32
        %scan3A_247 = arith.addi %scan3A_215, %scan3A_246 : i32
        %broadcast_in_dim3A_248 = arith.constant 0 : i32
        %broadcast_in_dim3A_249 = vector.broadcast %broadcast_in_dim3A_248 : i32 to vector<16xi32>
        %add3A_250 = vector.broadcast %scan3A_247 : i32 to vector<16xi32>
        %add3A_251 = arith.addi %broadcast_in_dim3A_249, %add3A_250 : vector<16xi32>
        %gather3A_252 = tpu.vector_load_idx %arg6[%add3A_251, %add3A_70] : memref<128x64xf32, #tpu.memory_space<vmem>>[vector<16xi32>, vector<16xi32>], vector<16xf32>,
        tpu.vector_store_idx %arg8[%shift_right_arithmetic3A_84, %and3A_95, %add3A_251], %gather3A_252 : memref<8x8x129xf32, #tpu.memory_space<vmem>>[vector<16xi32>, vector<16xi32>, vector<16xi32>], vector<16xf32>,
        %gather3A_253 = tpu.vector_load_idx %arg6[%add3A_251, %add3A_74] : memref<128x64xf32, #tpu.memory_space<vmem>>[vector<16xi32>, vector<16xi32>], vector<16xf32>,
        tpu.vector_store_idx %arg8[%shift_right_arithmetic3A_87, %and3A_98, %add3A_251], %gather3A_253 : memref<8x8x129xf32, #tpu.memory_space<vmem>>[vector<16xi32>, vector<16xi32>, vector<16xi32>], vector<16xf32>,
        %gather3A_254 = tpu.vector_load_idx %arg6[%add3A_251, %add3A_78] : memref<128x64xf32, #tpu.memory_space<vmem>>[vector<16xi32>, vector<16xi32>], vector<16xf32>,
        tpu.vector_store_idx %arg8[%shift_right_arithmetic3A_90, %and3A_101, %add3A_251], %gather3A_254 : memref<8x8x129xf32, #tpu.memory_space<vmem>>[vector<16xi32>, vector<16xi32>, vector<16xi32>], vector<16xf32>,
        %gather3A_255 = tpu.vector_load_idx %arg6[%add3A_251, %add3A_82] : memref<128x64xf32, #tpu.memory_space<vmem>>[vector<16xi32>, vector<16xi32>], vector<16xf32>,
        tpu.vector_store_idx %arg8[%shift_right_arithmetic3A_93, %and3A_104, %add3A_251], %gather3A_255 : memref<8x8x129xf32, #tpu.memory_space<vmem>>[vector<16xi32>, vector<16xi32>, vector<16xi32>], vector<16xf32>,
        %scan3A_256 = arith.constant 0 : i32
        %scan3A_257 = arith.constant 4 : i32
        %scan3A_258 = arith.addi %scan3A_215, %scan3A_257 : i32
        %broadcast_in_dim3A_259 = arith.constant 0 : i32
        %broadcast_in_dim3A_260 = vector.broadcast %broadcast_in_dim3A_259 : i32 to vector<16xi32>
        %add3A_261 = vector.broadcast %scan3A_258 : i32 to vector<16xi32>
        %add3A_262 = arith.addi %broadcast_in_dim3A_260, %add3A_261 : vector<16xi32>
        %gather3A_263 = tpu.vector_load_idx %arg6[%add3A_262, %add3A_70] : memref<128x64xf32, #tpu.memory_space<vmem>>[vector<16xi32>, vector<16xi32>], vector<16xf32>,
        tpu.vector_store_idx %arg8[%shift_right_arithmetic3A_84, %and3A_95, %add3A_262], %gather3A_263 : memref<8x8x129xf32, #tpu.memory_space<vmem>>[vector<16xi32>, vector<16xi32>, vector<16xi32>], vector<16xf32>,
        %gather3A_264 = tpu.vector_load_idx %arg6[%add3A_262, %add3A_74] : memref<128x64xf32, #tpu.memory_space<vmem>>[vector<16xi32>, vector<16xi32>], vector<16xf32>,
        tpu.vector_store_idx %arg8[%shift_right_arithmetic3A_87, %and3A_98, %add3A_262], %gather3A_264 : memref<8x8x129xf32, #tpu.memory_space<vmem>>[vector<16xi32>, vector<16xi32>, vector<16xi32>], vector<16xf32>,
        %gather3A_265 = tpu.vector_load_idx %arg6[%add3A_262, %add3A_78] : memref<128x64xf32, #tpu.memory_space<vmem>>[vector<16xi32>, vector<16xi32>], vector<16xf32>,
        tpu.vector_store_idx %arg8[%shift_right_arithmetic3A_90, %and3A_101, %add3A_262], %gather3A_265 : memref<8x8x129xf32, #tpu.memory_space<vmem>>[vector<16xi32>, vector<16xi32>, vector<16xi32>], vector<16xf32>,
        %gather3A_266 = tpu.vector_load_idx %arg6[%add3A_262, %add3A_82] : memref<128x64xf32, #tpu.memory_space<vmem>>[vector<16xi32>, vector<16xi32>], vector<16xf32>,
        tpu.vector_store_idx %arg8[%shift_right_arithmetic3A_93, %and3A_104, %add3A_262], %gather3A_266 : memref<8x8x129xf32, #tpu.memory_space<vmem>>[vector<16xi32>, vector<16xi32>, vector<16xi32>], vector<16xf32>,
        %scan3A_267 = arith.constant 0 : i32
        %scan3A_268 = arith.constant 5 : i32
        %scan3A_269 = arith.addi %scan3A_215, %scan3A_268 : i32
        %broadcast_in_dim3A_270 = arith.constant 0 : i32
        %broadcast_in_dim3A_271 = vector.broadcast %broadcast_in_dim3A_270 : i32 to vector<16xi32>
        %add3A_272 = vector.broadcast %scan3A_269 : i32 to vector<16xi32>
        %add3A_273 = arith.addi %broadcast_in_dim3A_271, %add3A_272 : vector<16xi32>
        %gather3A_274 = tpu.vector_load_idx %arg6[%add3A_273, %add3A_70] : memref<128x64xf32, #tpu.memory_space<vmem>>[vector<16xi32>, vector<16xi32>], vector<16xf32>,
        tpu.vector_store_idx %arg8[%shift_right_arithmetic3A_84, %and3A_95, %add3A_273], %gather3A_274 : memref<8x8x129xf32, #tpu.memory_space<vmem>>[vector<16xi32>, vector<16xi32>, vector<16xi32>], vector<16xf32>,
        %gather3A_275 = tpu.vector_load_idx %arg6[%add3A_273, %add3A_74] : memref<128x64xf32, #tpu.memory_space<vmem>>[vector<16xi32>, vector<16xi32>], vector<16xf32>,
        tpu.vector_store_idx %arg8[%shift_right_arithmetic3A_87, %and3A_98, %add3A_273], %gather3A_275 : memref<8x8x129xf32, #tpu.memory_space<vmem>>[vector<16xi32>, vector<16xi32>, vector<16xi32>], vector<16xf32>,
        %gather3A_276 = tpu.vector_load_idx %arg6[%add3A_273, %add3A_78] : memref<128x64xf32, #tpu.memory_space<vmem>>[vector<16xi32>, vector<16xi32>], vector<16xf32>,
        tpu.vector_store_idx %arg8[%shift_right_arithmetic3A_90, %and3A_101, %add3A_273], %gather3A_276 : memref<8x8x129xf32, #tpu.memory_space<vmem>>[vector<16xi32>, vector<16xi32>, vector<16xi32>], vector<16xf32>,
        %gather3A_277 = tpu.vector_load_idx %arg6[%add3A_273, %add3A_82] : memref<128x64xf32, #tpu.memory_space<vmem>>[vector<16xi32>, vector<16xi32>], vector<16xf32>,
        tpu.vector_store_idx %arg8[%shift_right_arithmetic3A_93, %and3A_104, %add3A_273], %gather3A_277 : memref<8x8x129xf32, #tpu.memory_space<vmem>>[vector<16xi32>, vector<16xi32>, vector<16xi32>], vector<16xf32>,
        %scan3A_278 = arith.constant 0 : i32
        %scan3A_279 = arith.constant 6 : i32
        %scan3A_280 = arith.addi %scan3A_215, %scan3A_279 : i32
        %broadcast_in_dim3A_281 = arith.constant 0 : i32
        %broadcast_in_dim3A_282 = vector.broadcast %broadcast_in_dim3A_281 : i32 to vector<16xi32>
        %add3A_283 = vector.broadcast %scan3A_280 : i32 to vector<16xi32>
        %add3A_284 = arith.addi %broadcast_in_dim3A_282, %add3A_283 : vector<16xi32>
        %gather3A_285 = tpu.vector_load_idx %arg6[%add3A_284, %add3A_70] : memref<128x64xf32, #tpu.memory_space<vmem>>[vector<16xi32>, vector<16xi32>], vector<16xf32>,
        tpu.vector_store_idx %arg8[%shift_right_arithmetic3A_84, %and3A_95, %add3A_284], %gather3A_285 : memref<8x8x129xf32, #tpu.memory_space<vmem>>[vector<16xi32>, vector<16xi32>, vector<16xi32>], vector<16xf32>,
        %gather3A_286 = tpu.vector_load_idx %arg6[%add3A_284, %add3A_74] : memref<128x64xf32, #tpu.memory_space<vmem>>[vector<16xi32>, vector<16xi32>], vector<16xf32>,
        tpu.vector_store_idx %arg8[%shift_right_arithmetic3A_87, %and3A_98, %add3A_284], %gather3A_286 : memref<8x8x129xf32, #tpu.memory_space<vmem>>[vector<16xi32>, vector<16xi32>, vector<16xi32>], vector<16xf32>,
        %gather3A_287 = tpu.vector_load_idx %arg6[%add3A_284, %add3A_78] : memref<128x64xf32, #tpu.memory_space<vmem>>[vector<16xi32>, vector<16xi32>], vector<16xf32>,
        tpu.vector_store_idx %arg8[%shift_right_arithmetic3A_90, %and3A_101, %add3A_284], %gather3A_287 : memref<8x8x129xf32, #tpu.memory_space<vmem>>[vector<16xi32>, vector<16xi32>, vector<16xi32>], vector<16xf32>,
        %gather3A_288 = tpu.vector_load_idx %arg6[%add3A_284, %add3A_82] : memref<128x64xf32, #tpu.memory_space<vmem>>[vector<16xi32>, vector<16xi32>], vector<16xf32>,
        tpu.vector_store_idx %arg8[%shift_right_arithmetic3A_93, %and3A_104, %add3A_284], %gather3A_288 : memref<8x8x129xf32, #tpu.memory_space<vmem>>[vector<16xi32>, vector<16xi32>, vector<16xi32>], vector<16xf32>,
        %scan3A_289 = arith.constant 0 : i32
        %scan3A_290 = arith.constant 7 : i32
        %scan3A_291 = arith.addi %scan3A_215, %scan3A_290 : i32
        %broadcast_in_dim3A_292 = arith.constant 0 : i32
        %broadcast_in_dim3A_293 = vector.broadcast %broadcast_in_dim3A_292 : i32 to vector<16xi32>
        %add3A_294 = vector.broadcast %scan3A_291 : i32 to vector<16xi32>
        %add3A_295 = arith.addi %broadcast_in_dim3A_293, %add3A_294 : vector<16xi32>
        %gather3A_296 = tpu.vector_load_idx %arg6[%add3A_295, %add3A_70] : memref<128x64xf32, #tpu.memory_space<vmem>>[vector<16xi32>, vector<16xi32>], vector<16xf32>,
        tpu.vector_store_idx %arg8[%shift_right_arithmetic3A_84, %and3A_95, %add3A_295], %gather3A_296 : memref<8x8x129xf32, #tpu.memory_space<vmem>>[vector<16xi32>, vector<16xi32>, vector<16xi32>], vector<16xf32>,
        %gather3A_297 = tpu.vector_load_idx %arg6[%add3A_295, %add3A_74] : memref<128x64xf32, #tpu.memory_space<vmem>>[vector<16xi32>, vector<16xi32>], vector<16xf32>,
        tpu.vector_store_idx %arg8[%shift_right_arithmetic3A_87, %and3A_98, %add3A_295], %gather3A_297 : memref<8x8x129xf32, #tpu.memory_space<vmem>>[vector<16xi32>, vector<16xi32>, vector<16xi32>], vector<16xf32>,
        %gather3A_298 = tpu.vector_load_idx %arg6[%add3A_295, %add3A_78] : memref<128x64xf32, #tpu.memory_space<vmem>>[vector<16xi32>, vector<16xi32>], vector<16xf32>,
        tpu.vector_store_idx %arg8[%shift_right_arithmetic3A_90, %and3A_101, %add3A_295], %gather3A_298 : memref<8x8x129xf32, #tpu.memory_space<vmem>>[vector<16xi32>, vector<16xi32>, vector<16xi32>], vector<16xf32>,
        %gather3A_299 = tpu.vector_load_idx %arg6[%add3A_295, %add3A_82] : memref<128x64xf32, #tpu.memory_space<vmem>>[vector<16xi32>, vector<16xi32>], vector<16xf32>,
        tpu.vector_store_idx %arg8[%shift_right_arithmetic3A_93, %and3A_104, %add3A_295], %gather3A_299 : memref<8x8x129xf32, #tpu.memory_space<vmem>>[vector<16xi32>, vector<16xi32>, vector<16xi32>], vector<16xf32>,
        %scan3A_300 = arith.constant 0 : i32
        scf.yield %scan3A_300 : i32
      }
      %scan3A_111 = arith.constant 128 : i32
      %dma_start3A_112 = arith.constant 0 : i32
      %dma_start3A_113 = arith.constant 0 : i32
      %dma_start3A_114 = arith.constant 0 : i32
      %dma_start3A_115 = tpu.memref_slice %arg8[%dma_start3A_112, %dma_start3A_113, %dma_start3A_114] : memref<8x8x129xf32, #tpu.memory_space<vmem>> -> memref<8x8x128xf32, #tpu.memory_space<vmem>>
      %dma_start3A_116 = arith.constant 0 : i32
      %dma_start3A_117 = arith.constant 0 : i32
      %dma_start3A_118 = arith.constant 0 : i32
      %dma_start3A_119 = tpu.memref_slice %arg4[%mul3A_53, %dma_start3A_116, %add3A, %dma_start3A_117, %dma_start3A_118] : memref<200x8x32x8x128xf32, #tpu.memory_space<hbm>> -> memref<1x8x1x8x128xf32, #tpu.memory_space<hbm>>
      %dma_start3A_120 = tpu.memref_squeeze %dma_start3A_119 : memref<1x8x1x8x128xf32, #tpu.memory_space<hbm>> -> memref<8x8x128xf32, #tpu.memory_space<hbm>>
      %dma_start3A_121 = arith.constant 0 : i32
      %dma_start3A_122 = arith.constant 0 : i32
      %dma_start3A_123 = arith.constant 0 : i32
      %dma_start3A_124 = tpu.memref_slice %arg4[%mul3A_53, %dma_start3A_121, %add3A, %dma_start3A_122, %dma_start3A_123] : memref<200x8x32x8x128xf32, #tpu.memory_space<hbm>> -> memref<1x8x1x8x128xf32, #tpu.memory_space<hbm>>
      %dma_start3A_125 = tpu.memref_squeeze %dma_start3A_124 : memref<1x8x1x8x128xf32, #tpu.memory_space<hbm>> -> memref<8x8x128xf32, #tpu.memory_space<hbm>>
      %dma_start3A_126 = arith.constant 0 : i32
      %dma_start3A_127 = arith.constant 0 : i32
      %dma_start3A_128 = arith.constant 0 : i32
      %dma_start3A_129 = tpu.memref_slice %arg8[%dma_start3A_126, %dma_start3A_127, %dma_start3A_128] : memref<8x8x129xf32, #tpu.memory_space<vmem>> -> memref<8x8x128xf32, #tpu.memory_space<vmem>>
      tpu.enqueue_dma source(%dma_start3A_129 : memref<8x8x128xf32, #tpu.memory_space<vmem>>) target(%dma_start3A_125 : memref<8x8x128xf32, #tpu.memory_space<hbm>>) target_semaphore(%arg12 : memref<!tpu.dma_semaphore, #tpu.memory_space<semaphore_mem>>)
      %add3A_130 = arith.constant 1 : i32
      %add3A_131 = arith.addi %mul3A_53, %add3A_130 : i32
      %dma_wait3A_132 = arith.constant 0 : i32
      %dma_wait3A_133 = tpu.memref_slice %arg5[%add3A_131, %dma_wait3A_132] : memref<200x128xi32, #tpu.memory_space<vmem>> -> memref<1x128xi32, #tpu.memory_space<vmem>>
      %dma_wait3A_134 = tpu.memref_squeeze %dma_wait3A_133 : memref<1x128xi32, #tpu.memory_space<vmem>> -> memref<128xi32, #tpu.memory_space<vmem>>
      %dma_wait3A_135 = arith.constant 0 : i32
      %dma_wait3A_136 = arith.constant 0 : i32
      %dma_wait3A_137 = tpu.memref_slice %arg2[%dma_wait3A_135, %dma_wait3A_136] : memref<1000000x64xf32, #tpu.memory_space<hbm>> -> memref<1000000x64xf32, #tpu.memory_space<hbm>>
      tpu.wait_indirect_dma semaphore(%arg11 : memref<!tpu.dma_semaphore, #tpu.memory_space<semaphore_mem>>) src(%dma_wait3A_137 : memref<1000000x64xf32, #tpu.memory_space<hbm>>) dst(%arg7 : memref<128x64xf32, #tpu.memory_space<vmem>>)
      %add3A_138 = arith.constant 1 : i32
      %add3A_139 = arith.addi %add3A_131, %add3A_138 : i32
      %lt3A_140 = arith.constant 200 : i32
      %lt3A_141 = arith.cmpi slt, %add3A_139, %lt3A_140 : i32
      %convert_element_type3A_142 = arith.extui %lt3A_141 : i1 to i32
      %cond3A_143 = arith.constant 0 : i32
      %cond3A_144 = arith.cmpi ne, %convert_element_type3A_142, %cond3A_143 : i32
      scf.if %cond3A_144 {
        %add3A_215 = arith.constant 1 : i32
        %add3A_216 = arith.addi %add3A_131, %add3A_215 : i32
        %dma_start3A_217 = arith.constant 0 : i32
        %dma_start3A_218 = tpu.memref_slice %arg5[%add3A_216, %dma_start3A_217] : memref<200x128xi32, #tpu.memory_space<vmem>> -> memref<1x128xi32, #tpu.memory_space<vmem>>
        %dma_start3A_219 = tpu.memref_squeeze %dma_start3A_218 : memref<1x128xi32, #tpu.memory_space<vmem>> -> memref<128xi32, #tpu.memory_space<vmem>>
        %dma_start3A_220 = arith.constant 0 : i32
        %dma_start3A_221 = arith.constant 0 : i32
        %dma_start3A_222 = tpu.memref_slice %arg2[%dma_start3A_220, %dma_start3A_221] : memref<1000000x64xf32, #tpu.memory_space<hbm>> -> memref<1000000x64xf32, #tpu.memory_space<hbm>>
        tpu.enqueue_indirect_dma source(%dma_start3A_222 : memref<1000000x64xf32, #tpu.memory_space<hbm>>) target(%arg6 : memref<128x64xf32, #tpu.memory_space<vmem>>) offsets(%dma_start3A_219 : memref<128xi32, #tpu.memory_space<vmem>>) semaphore(%arg10 : memref<!tpu.dma_semaphore, #tpu.memory_space<semaphore_mem>>)
      } else {
      }
      %ge3A_145 = arith.constant 2 : i32
      %ge3A_146 = arith.cmpi sge, %add3A_131, %ge3A_145 : i32
      %convert_element_type3A_147 = arith.extui %ge3A_146 : i1 to i32
      %cond3A_148 = arith.constant 0 : i32
      %cond3A_149 = arith.cmpi ne, %convert_element_type3A_147, %cond3A_148 : i32
      scf.if %cond3A_149 {
        %sub3A = arith.constant 2 : i32
        %sub3A_215 = arith.subi %add3A_131, %sub3A : i32
        %dma_wait3A_216 = arith.constant 0 : i32
        %dma_wait3A_217 = arith.constant 0 : i32
        %dma_wait3A_218 = arith.constant 0 : i32
        %dma_wait3A_219 = tpu.memref_slice %arg9[%dma_wait3A_216, %dma_wait3A_217, %dma_wait3A_218] : memref<8x8x129xf32, #tpu.memory_space<vmem>> -> memref<8x8x128xf32, #tpu.memory_space<vmem>>
        %dma_wait3A_220 = arith.constant 0 : i32
        %dma_wait3A_221 = arith.constant 0 : i32
        %dma_wait3A_222 = arith.constant 0 : i32
        %dma_wait3A_223 = tpu.memref_slice %arg4[%sub3A_215, %dma_wait3A_220, %add3A, %dma_wait3A_221, %dma_wait3A_222] : memref<200x8x32x8x128xf32, #tpu.memory_space<hbm>> -> memref<1x8x1x8x128xf32, #tpu.memory_space<hbm>>
        %dma_wait3A_224 = tpu.memref_squeeze %dma_wait3A_223 : memref<1x8x1x8x128xf32, #tpu.memory_space<hbm>> -> memref<8x8x128xf32, #tpu.memory_space<hbm>>
        %dma_wait3A_225 = arith.constant 0 : i32
        %dma_wait3A_226 = arith.constant 0 : i32
        %dma_wait3A_227 = arith.constant 0 : i32
        %dma_wait3A_228 = tpu.memref_slice %arg4[%sub3A_215, %dma_wait3A_225, %add3A, %dma_wait3A_226, %dma_wait3A_227] : memref<200x8x32x8x128xf32, #tpu.memory_space<hbm>> -> memref<1x8x1x8x128xf32, #tpu.memory_space<hbm>>
        %dma_wait3A_229 = tpu.memref_squeeze %dma_wait3A_228 : memref<1x8x1x8x128xf32, #tpu.memory_space<hbm>> -> memref<8x8x128xf32, #tpu.memory_space<hbm>>
        %dma_wait3A_230 = arith.constant 0 : i32
        %dma_wait3A_231 = arith.constant 0 : i32
        %dma_wait3A_232 = arith.constant 0 : i32
        %dma_wait3A_233 = tpu.memref_slice %arg9[%dma_wait3A_230, %dma_wait3A_231, %dma_wait3A_232] : memref<8x8x129xf32, #tpu.memory_space<vmem>> -> memref<8x8x128xf32, #tpu.memory_space<vmem>>
        tpu.wait_dma2 semaphore(%arg13 : memref<!tpu.dma_semaphore, #tpu.memory_space<semaphore_mem>>) src(%dma_wait3A_233 : memref<8x8x128xf32, #tpu.memory_space<vmem>>) dst(%dma_wait3A_229 : memref<8x8x128xf32, #tpu.memory_space<hbm>>)
      } else {
      }
      %iota3A_150 = tpu.iota {dimensions = array<i32: 0>} : vector<16xi32>
      %add3A_151 = arith.constant 0 : i32
      %add3A_152 = vector.broadcast %add3A_151 : i32 to vector<16xi32>
      %add3A_153 = arith.addi %iota3A_150, %add3A_152 : vector<16xi32>
      %iota3A_154 = tpu.iota {dimensions = array<i32: 0>} : vector<16xi32>
      %add3A_155 = arith.constant 16 : i32
      %add3A_156 = vector.broadcast %add3A_155 : i32 to vector<16xi32>
      %add3A_157 = arith.addi %iota3A_154, %add3A_156 : vector<16xi32>
      %iota3A_158 = tpu.iota {dimensions = array<i32: 0>} : vector<16xi32>
      %add3A_159 = arith.constant 32 : i32
      %add3A_160 = vector.broadcast %add3A_159 : i32 to vector<16xi32>
      %add3A_161 = arith.addi %iota3A_158, %add3A_160 : vector<16xi32>
      %iota3A_162 = tpu.iota {dimensions = array<i32: 0>} : vector<16xi32>
      %add3A_163 = arith.constant 48 : i32
      %add3A_164 = vector.broadcast %add3A_163 : i32 to vector<16xi32>
      %add3A_165 = arith.addi %iota3A_162, %add3A_164 : vector<16xi32>
      %shift_right_arithmetic3A_166 = arith.constant 3 : i32
      %shift_right_arithmetic3A_167 = vector.broadcast %shift_right_arithmetic3A_166 : i32 to vector<16xi32>
      %shift_right_arithmetic3A_168 = arith.shrsi %add3A_153, %shift_right_arithmetic3A_167 : vector<16xi32>
      %shift_right_arithmetic3A_169 = arith.constant 3 : i32
      %shift_right_arithmetic3A_170 = vector.broadcast %shift_right_arithmetic3A_169 : i32 to vector<16xi32>
      %shift_right_arithmetic3A_171 = arith.shrsi %add3A_157, %shift_right_arithmetic3A_170 : vector<16xi32>
      %shift_right_arithmetic3A_172 = arith.constant 3 : i32
      %shift_right_arithmetic3A_173 = vector.broadcast %shift_right_arithmetic3A_172 : i32 to vector<16xi32>
      %shift_right_arithmetic3A_174 = arith.shrsi %add3A_161, %shift_right_arithmetic3A_173 : vector<16xi32>
      %shift_right_arithmetic3A_175 = arith.constant 3 : i32
      %shift_right_arithmetic3A_176 = vector.broadcast %shift_right_arithmetic3A_175 : i32 to vector<16xi32>
      %shift_right_arithmetic3A_177 = arith.shrsi %add3A_165, %shift_right_arithmetic3A_176 : vector<16xi32>
      %and3A_178 = arith.constant 7 : i32
      %and3A_179 = vector.broadcast %and3A_178 : i32 to vector<16xi32>
      %and3A_180 = arith.andi %add3A_153, %and3A_179 : vector<16xi32>
      %and3A_181 = arith.constant 7 : i32
      %and3A_182 = vector.broadcast %and3A_181 : i32 to vector<16xi32>
      %and3A_183 = arith.andi %add3A_157, %and3A_182 : vector<16xi32>
      %and3A_184 = arith.constant 7 : i32
      %and3A_185 = vector.broadcast %and3A_184 : i32 to vector<16xi32>
      %and3A_186 = arith.andi %add3A_161, %and3A_185 : vector<16xi32>
      %and3A_187 = arith.constant 7 : i32
      %and3A_188 = vector.broadcast %and3A_187 : i32 to vector<16xi32>
      %and3A_189 = arith.andi %add3A_165, %and3A_188 : vector<16xi32>
      %scan3A_190 = arith.constant 0 : i32
      %scan3A_191 = arith.constant 0 : i32
      %scan3A_192 = arith.constant 128 : i32
      %scan3A_193 = arith.addi %scan3A_191, %scan3A_192 : i32
      %scan3A_194 = arith.constant 8 : i32
      %scan3A_195 = scf.for %scan3A_215 = %scan3A_191 to %scan3A_193 step %scan3A_194 iter_args(%scan3A_216 = %scan3A_190) -> (i32)  : i32 {
        %broadcast_in_dim3A = arith.constant 0 : i32
        %broadcast_in_dim3A_217 = vector.broadcast %broadcast_in_dim3A : i32 to vector<16xi32>
        %add3A_218 = vector.broadcast %scan3A_215 : i32 to vector<16xi32>
        %add3A_219 = arith.addi %broadcast_in_dim3A_217, %add3A_218 : vector<16xi32>
        %gather3A = tpu.vector_load_idx %arg7[%add3A_219, %add3A_153] : memref<128x64xf32, #tpu.memory_space<vmem>>[vector<16xi32>, vector<16xi32>], vector<16xf32>,
        tpu.vector_store_idx %arg9[%shift_right_arithmetic3A_168, %and3A_180, %add3A_219], %gather3A : memref<8x8x129xf32, #tpu.memory_space<vmem>>[vector<16xi32>, vector<16xi32>, vector<16xi32>], vector<16xf32>,
        %gather3A_220 = tpu.vector_load_idx %arg7[%add3A_219, %add3A_157] : memref<128x64xf32, #tpu.memory_space<vmem>>[vector<16xi32>, vector<16xi32>], vector<16xf32>,
        tpu.vector_store_idx %arg9[%shift_right_arithmetic3A_171, %and3A_183, %add3A_219], %gather3A_220 : memref<8x8x129xf32, #tpu.memory_space<vmem>>[vector<16xi32>, vector<16xi32>, vector<16xi32>], vector<16xf32>,
        %gather3A_221 = tpu.vector_load_idx %arg7[%add3A_219, %add3A_161] : memref<128x64xf32, #tpu.memory_space<vmem>>[vector<16xi32>, vector<16xi32>], vector<16xf32>,
        tpu.vector_store_idx %arg9[%shift_right_arithmetic3A_174, %and3A_186, %add3A_219], %gather3A_221 : memref<8x8x129xf32, #tpu.memory_space<vmem>>[vector<16xi32>, vector<16xi32>, vector<16xi32>], vector<16xf32>,
        %gather3A_222 = tpu.vector_load_idx %arg7[%add3A_219, %add3A_165] : memref<128x64xf32, #tpu.memory_space<vmem>>[vector<16xi32>, vector<16xi32>], vector<16xf32>,
        tpu.vector_store_idx %arg9[%shift_right_arithmetic3A_177, %and3A_189, %add3A_219], %gather3A_222 : memref<8x8x129xf32, #tpu.memory_space<vmem>>[vector<16xi32>, vector<16xi32>, vector<16xi32>], vector<16xf32>,
        %scan3A_223 = arith.constant 0 : i32
        %scan3A_224 = arith.constant 1 : i32
        %scan3A_225 = arith.addi %scan3A_215, %scan3A_224 : i32
        %broadcast_in_dim3A_226 = arith.constant 0 : i32
        %broadcast_in_dim3A_227 = vector.broadcast %broadcast_in_dim3A_226 : i32 to vector<16xi32>
        %add3A_228 = vector.broadcast %scan3A_225 : i32 to vector<16xi32>
        %add3A_229 = arith.addi %broadcast_in_dim3A_227, %add3A_228 : vector<16xi32>
        %gather3A_230 = tpu.vector_load_idx %arg7[%add3A_229, %add3A_153] : memref<128x64xf32, #tpu.memory_space<vmem>>[vector<16xi32>, vector<16xi32>], vector<16xf32>,
        tpu.vector_store_idx %arg9[%shift_right_arithmetic3A_168, %and3A_180, %add3A_229], %gather3A_230 : memref<8x8x129xf32, #tpu.memory_space<vmem>>[vector<16xi32>, vector<16xi32>, vector<16xi32>], vector<16xf32>,
        %gather3A_231 = tpu.vector_load_idx %arg7[%add3A_229, %add3A_157] : memref<128x64xf32, #tpu.memory_space<vmem>>[vector<16xi32>, vector<16xi32>], vector<16xf32>,
        tpu.vector_store_idx %arg9[%shift_right_arithmetic3A_171, %and3A_183, %add3A_229], %gather3A_231 : memref<8x8x129xf32, #tpu.memory_space<vmem>>[vector<16xi32>, vector<16xi32>, vector<16xi32>], vector<16xf32>,
        %gather3A_232 = tpu.vector_load_idx %arg7[%add3A_229, %add3A_161] : memref<128x64xf32, #tpu.memory_space<vmem>>[vector<16xi32>, vector<16xi32>], vector<16xf32>,
        tpu.vector_store_idx %arg9[%shift_right_arithmetic3A_174, %and3A_186, %add3A_229], %gather3A_232 : memref<8x8x129xf32, #tpu.memory_space<vmem>>[vector<16xi32>, vector<16xi32>, vector<16xi32>], vector<16xf32>,
        %gather3A_233 = tpu.vector_load_idx %arg7[%add3A_229, %add3A_165] : memref<128x64xf32, #tpu.memory_space<vmem>>[vector<16xi32>, vector<16xi32>], vector<16xf32>,
        tpu.vector_store_idx %arg9[%shift_right_arithmetic3A_177, %and3A_189, %add3A_229], %gather3A_233 : memref<8x8x129xf32, #tpu.memory_space<vmem>>[vector<16xi32>, vector<16xi32>, vector<16xi32>], vector<16xf32>,
        %scan3A_234 = arith.constant 0 : i32
        %scan3A_235 = arith.constant 2 : i32
        %scan3A_236 = arith.addi %scan3A_215, %scan3A_235 : i32
        %broadcast_in_dim3A_237 = arith.constant 0 : i32
        %broadcast_in_dim3A_238 = vector.broadcast %broadcast_in_dim3A_237 : i32 to vector<16xi32>
        %add3A_239 = vector.broadcast %scan3A_236 : i32 to vector<16xi32>
        %add3A_240 = arith.addi %broadcast_in_dim3A_238, %add3A_239 : vector<16xi32>
        %gather3A_241 = tpu.vector_load_idx %arg7[%add3A_240, %add3A_153] : memref<128x64xf32, #tpu.memory_space<vmem>>[vector<16xi32>, vector<16xi32>], vector<16xf32>,
        tpu.vector_store_idx %arg9[%shift_right_arithmetic3A_168, %and3A_180, %add3A_240], %gather3A_241 : memref<8x8x129xf32, #tpu.memory_space<vmem>>[vector<16xi32>, vector<16xi32>, vector<16xi32>], vector<16xf32>,
        %gather3A_242 = tpu.vector_load_idx %arg7[%add3A_240, %add3A_157] : memref<128x64xf32, #tpu.memory_space<vmem>>[vector<16xi32>, vector<16xi32>], vector<16xf32>,
        tpu.vector_store_idx %arg9[%shift_right_arithmetic3A_171, %and3A_183, %add3A_240], %gather3A_242 : memref<8x8x129xf32, #tpu.memory_space<vmem>>[vector<16xi32>, vector<16xi32>, vector<16xi32>], vector<16xf32>,
        %gather3A_243 = tpu.vector_load_idx %arg7[%add3A_240, %add3A_161] : memref<128x64xf32, #tpu.memory_space<vmem>>[vector<16xi32>, vector<16xi32>], vector<16xf32>,
        tpu.vector_store_idx %arg9[%shift_right_arithmetic3A_174, %and3A_186, %add3A_240], %gather3A_243 : memref<8x8x129xf32, #tpu.memory_space<vmem>>[vector<16xi32>, vector<16xi32>, vector<16xi32>], vector<16xf32>,
        %gather3A_244 = tpu.vector_load_idx %arg7[%add3A_240, %add3A_165] : memref<128x64xf32, #tpu.memory_space<vmem>>[vector<16xi32>, vector<16xi32>], vector<16xf32>,
        tpu.vector_store_idx %arg9[%shift_right_arithmetic3A_177, %and3A_189, %add3A_240], %gather3A_244 : memref<8x8x129xf32, #tpu.memory_space<vmem>>[vector<16xi32>, vector<16xi32>, vector<16xi32>], vector<16xf32>,
        %scan3A_245 = arith.constant 0 : i32
        %scan3A_246 = arith.constant 3 : i32
        %scan3A_247 = arith.addi %scan3A_215, %scan3A_246 : i32
        %broadcast_in_dim3A_248 = arith.constant 0 : i32
        %broadcast_in_dim3A_249 = vector.broadcast %broadcast_in_dim3A_248 : i32 to vector<16xi32>
        %add3A_250 = vector.broadcast %scan3A_247 : i32 to vector<16xi32>
        %add3A_251 = arith.addi %broadcast_in_dim3A_249, %add3A_250 : vector<16xi32>
        %gather3A_252 = tpu.vector_load_idx %arg7[%add3A_251, %add3A_153] : memref<128x64xf32, #tpu.memory_space<vmem>>[vector<16xi32>, vector<16xi32>], vector<16xf32>,
        tpu.vector_store_idx %arg9[%shift_right_arithmetic3A_168, %and3A_180, %add3A_251], %gather3A_252 : memref<8x8x129xf32, #tpu.memory_space<vmem>>[vector<16xi32>, vector<16xi32>, vector<16xi32>], vector<16xf32>,
        %gather3A_253 = tpu.vector_load_idx %arg7[%add3A_251, %add3A_157] : memref<128x64xf32, #tpu.memory_space<vmem>>[vector<16xi32>, vector<16xi32>], vector<16xf32>,
        tpu.vector_store_idx %arg9[%shift_right_arithmetic3A_171, %and3A_183, %add3A_251], %gather3A_253 : memref<8x8x129xf32, #tpu.memory_space<vmem>>[vector<16xi32>, vector<16xi32>, vector<16xi32>], vector<16xf32>,
        %gather3A_254 = tpu.vector_load_idx %arg7[%add3A_251, %add3A_161] : memref<128x64xf32, #tpu.memory_space<vmem>>[vector<16xi32>, vector<16xi32>], vector<16xf32>,
        tpu.vector_store_idx %arg9[%shift_right_arithmetic3A_174, %and3A_186, %add3A_251], %gather3A_254 : memref<8x8x129xf32, #tpu.memory_space<vmem>>[vector<16xi32>, vector<16xi32>, vector<16xi32>], vector<16xf32>,
        %gather3A_255 = tpu.vector_load_idx %arg7[%add3A_251, %add3A_165] : memref<128x64xf32, #tpu.memory_space<vmem>>[vector<16xi32>, vector<16xi32>], vector<16xf32>,
        tpu.vector_store_idx %arg9[%shift_right_arithmetic3A_177, %and3A_189, %add3A_251], %gather3A_255 : memref<8x8x129xf32, #tpu.memory_space<vmem>>[vector<16xi32>, vector<16xi32>, vector<16xi32>], vector<16xf32>,
        %scan3A_256 = arith.constant 0 : i32
        %scan3A_257 = arith.constant 4 : i32
        %scan3A_258 = arith.addi %scan3A_215, %scan3A_257 : i32
        %broadcast_in_dim3A_259 = arith.constant 0 : i32
        %broadcast_in_dim3A_260 = vector.broadcast %broadcast_in_dim3A_259 : i32 to vector<16xi32>
        %add3A_261 = vector.broadcast %scan3A_258 : i32 to vector<16xi32>
        %add3A_262 = arith.addi %broadcast_in_dim3A_260, %add3A_261 : vector<16xi32>
        %gather3A_263 = tpu.vector_load_idx %arg7[%add3A_262, %add3A_153] : memref<128x64xf32, #tpu.memory_space<vmem>>[vector<16xi32>, vector<16xi32>], vector<16xf32>,
        tpu.vector_store_idx %arg9[%shift_right_arithmetic3A_168, %and3A_180, %add3A_262], %gather3A_263 : memref<8x8x129xf32, #tpu.memory_space<vmem>>[vector<16xi32>, vector<16xi32>, vector<16xi32>], vector<16xf32>,
        %gather3A_264 = tpu.vector_load_idx %arg7[%add3A_262, %add3A_157] : memref<128x64xf32, #tpu.memory_space<vmem>>[vector<16xi32>, vector<16xi32>], vector<16xf32>,
        tpu.vector_store_idx %arg9[%shift_right_arithmetic3A_171, %and3A_183, %add3A_262], %gather3A_264 : memref<8x8x129xf32, #tpu.memory_space<vmem>>[vector<16xi32>, vector<16xi32>, vector<16xi32>], vector<16xf32>,
        %gather3A_265 = tpu.vector_load_idx %arg7[%add3A_262, %add3A_161] : memref<128x64xf32, #tpu.memory_space<vmem>>[vector<16xi32>, vector<16xi32>], vector<16xf32>,
        tpu.vector_store_idx %arg9[%shift_right_arithmetic3A_174, %and3A_186, %add3A_262], %gather3A_265 : memref<8x8x129xf32, #tpu.memory_space<vmem>>[vector<16xi32>, vector<16xi32>, vector<16xi32>], vector<16xf32>,
        %gather3A_266 = tpu.vector_load_idx %arg7[%add3A_262, %add3A_165] : memref<128x64xf32, #tpu.memory_space<vmem>>[vector<16xi32>, vector<16xi32>], vector<16xf32>,
        tpu.vector_store_idx %arg9[%shift_right_arithmetic3A_177, %and3A_189, %add3A_262], %gather3A_266 : memref<8x8x129xf32, #tpu.memory_space<vmem>>[vector<16xi32>, vector<16xi32>, vector<16xi32>], vector<16xf32>,
        %scan3A_267 = arith.constant 0 : i32
        %scan3A_268 = arith.constant 5 : i32
        %scan3A_269 = arith.addi %scan3A_215, %scan3A_268 : i32
        %broadcast_in_dim3A_270 = arith.constant 0 : i32
        %broadcast_in_dim3A_271 = vector.broadcast %broadcast_in_dim3A_270 : i32 to vector<16xi32>
        %add3A_272 = vector.broadcast %scan3A_269 : i32 to vector<16xi32>
        %add3A_273 = arith.addi %broadcast_in_dim3A_271, %add3A_272 : vector<16xi32>
        %gather3A_274 = tpu.vector_load_idx %arg7[%add3A_273, %add3A_153] : memref<128x64xf32, #tpu.memory_space<vmem>>[vector<16xi32>, vector<16xi32>], vector<16xf32>,
        tpu.vector_store_idx %arg9[%shift_right_arithmetic3A_168, %and3A_180, %add3A_273], %gather3A_274 : memref<8x8x129xf32, #tpu.memory_space<vmem>>[vector<16xi32>, vector<16xi32>, vector<16xi32>], vector<16xf32>,
        %gather3A_275 = tpu.vector_load_idx %arg7[%add3A_273, %add3A_157] : memref<128x64xf32, #tpu.memory_space<vmem>>[vector<16xi32>, vector<16xi32>], vector<16xf32>,
        tpu.vector_store_idx %arg9[%shift_right_arithmetic3A_171, %and3A_183, %add3A_273], %gather3A_275 : memref<8x8x129xf32, #tpu.memory_space<vmem>>[vector<16xi32>, vector<16xi32>, vector<16xi32>], vector<16xf32>,
        %gather3A_276 = tpu.vector_load_idx %arg7[%add3A_273, %add3A_161] : memref<128x64xf32, #tpu.memory_space<vmem>>[vector<16xi32>, vector<16xi32>], vector<16xf32>,
        tpu.vector_store_idx %arg9[%shift_right_arithmetic3A_174, %and3A_186, %add3A_273], %gather3A_276 : memref<8x8x129xf32, #tpu.memory_space<vmem>>[vector<16xi32>, vector<16xi32>, vector<16xi32>], vector<16xf32>,
        %gather3A_277 = tpu.vector_load_idx %arg7[%add3A_273, %add3A_165] : memref<128x64xf32, #tpu.memory_space<vmem>>[vector<16xi32>, vector<16xi32>], vector<16xf32>,
        tpu.vector_store_idx %arg9[%shift_right_arithmetic3A_177, %and3A_189, %add3A_273], %gather3A_277 : memref<8x8x129xf32, #tpu.memory_space<vmem>>[vector<16xi32>, vector<16xi32>, vector<16xi32>], vector<16xf32>,
        %scan3A_278 = arith.constant 0 : i32
        %scan3A_279 = arith.constant 6 : i32
        %scan3A_280 = arith.addi %scan3A_215, %scan3A_279 : i32
        %broadcast_in_dim3A_281 = arith.constant 0 : i32
        %broadcast_in_dim3A_282 = vector.broadcast %broadcast_in_dim3A_281 : i32 to vector<16xi32>
        %add3A_283 = vector.broadcast %scan3A_280 : i32 to vector<16xi32>
        %add3A_284 = arith.addi %broadcast_in_dim3A_282, %add3A_283 : vector<16xi32>
        %gather3A_285 = tpu.vector_load_idx %arg7[%add3A_284, %add3A_153] : memref<128x64xf32, #tpu.memory_space<vmem>>[vector<16xi32>, vector<16xi32>], vector<16xf32>,
        tpu.vector_store_idx %arg9[%shift_right_arithmetic3A_168, %and3A_180, %add3A_284], %gather3A_285 : memref<8x8x129xf32, #tpu.memory_space<vmem>>[vector<16xi32>, vector<16xi32>, vector<16xi32>], vector<16xf32>,
        %gather3A_286 = tpu.vector_load_idx %arg7[%add3A_284, %add3A_157] : memref<128x64xf32, #tpu.memory_space<vmem>>[vector<16xi32>, vector<16xi32>], vector<16xf32>,
        tpu.vector_store_idx %arg9[%shift_right_arithmetic3A_171, %and3A_183, %add3A_284], %gather3A_286 : memref<8x8x129xf32, #tpu.memory_space<vmem>>[vector<16xi32>, vector<16xi32>, vector<16xi32>], vector<16xf32>,
        %gather3A_287 = tpu.vector_load_idx %arg7[%add3A_284, %add3A_161] : memref<128x64xf32, #tpu.memory_space<vmem>>[vector<16xi32>, vector<16xi32>], vector<16xf32>,
        tpu.vector_store_idx %arg9[%shift_right_arithmetic3A_174, %and3A_186, %add3A_284], %gather3A_287 : memref<8x8x129xf32, #tpu.memory_space<vmem>>[vector<16xi32>, vector<16xi32>, vector<16xi32>], vector<16xf32>,
        %gather3A_288 = tpu.vector_load_idx %arg7[%add3A_284, %add3A_165] : memref<128x64xf32, #tpu.memory_space<vmem>>[vector<16xi32>, vector<16xi32>], vector<16xf32>,
        tpu.vector_store_idx %arg9[%shift_right_arithmetic3A_177, %and3A_189, %add3A_284], %gather3A_288 : memref<8x8x129xf32, #tpu.memory_space<vmem>>[vector<16xi32>, vector<16xi32>, vector<16xi32>], vector<16xf32>,
        %scan3A_289 = arith.constant 0 : i32
        %scan3A_290 = arith.constant 7 : i32
        %scan3A_291 = arith.addi %scan3A_215, %scan3A_290 : i32
        %broadcast_in_dim3A_292 = arith.constant 0 : i32
        %broadcast_in_dim3A_293 = vector.broadcast %broadcast_in_dim3A_292 : i32 to vector<16xi32>
        %add3A_294 = vector.broadcast %scan3A_291 : i32 to vector<16xi32>
        %add3A_295 = arith.addi %broadcast_in_dim3A_293, %add3A_294 : vector<16xi32>
        %gather3A_296 = tpu.vector_load_idx %arg7[%add3A_295, %add3A_153] : memref<128x64xf32, #tpu.memory_space<vmem>>[vector<16xi32>, vector<16xi32>], vector<16xf32>,
        tpu.vector_store_idx %arg9[%shift_right_arithmetic3A_168, %and3A_180, %add3A_295], %gather3A_296 : memref<8x8x129xf32, #tpu.memory_space<vmem>>[vector<16xi32>, vector<16xi32>, vector<16xi32>], vector<16xf32>,
        %gather3A_297 = tpu.vector_load_idx %arg7[%add3A_295, %add3A_157] : memref<128x64xf32, #tpu.memory_space<vmem>>[vector<16xi32>, vector<16xi32>], vector<16xf32>,
        tpu.vector_store_idx %arg9[%shift_right_arithmetic3A_171, %and3A_183, %add3A_295], %gather3A_297 : memref<8x8x129xf32, #tpu.memory_space<vmem>>[vector<16xi32>, vector<16xi32>, vector<16xi32>], vector<16xf32>,
        %gather3A_298 = tpu.vector_load_idx %arg7[%add3A_295, %add3A_161] : memref<128x64xf32, #tpu.memory_space<vmem>>[vector<16xi32>, vector<16xi32>], vector<16xf32>,
        tpu.vector_store_idx %arg9[%shift_right_arithmetic3A_174, %and3A_186, %add3A_295], %gather3A_298 : memref<8x8x129xf32, #tpu.memory_space<vmem>>[vector<16xi32>, vector<16xi32>, vector<16xi32>], vector<16xf32>,
        %gather3A_299 = tpu.vector_load_idx %arg7[%add3A_295, %add3A_165] : memref<128x64xf32, #tpu.memory_space<vmem>>[vector<16xi32>, vector<16xi32>], vector<16xf32>,
        tpu.vector_store_idx %arg9[%shift_right_arithmetic3A_177, %and3A_189, %add3A_295], %gather3A_299 : memref<8x8x129xf32, #tpu.memory_space<vmem>>[vector<16xi32>, vector<16xi32>, vector<16xi32>], vector<16xf32>,
        %scan3A_300 = arith.constant 0 : i32
        scf.yield %scan3A_300 : i32
      }
      %scan3A_196 = arith.constant 128 : i32
      %dma_start3A_197 = arith.constant 0 : i32
      %dma_start3A_198 = arith.constant 0 : i32
      %dma_start3A_199 = arith.constant 0 : i32
      %dma_start3A_200 = tpu.memref_slice %arg9[%dma_start3A_197, %dma_start3A_198, %dma_start3A_199] : memref<8x8x129xf32, #tpu.memory_space<vmem>> -> memref<8x8x128xf32, #tpu.memory_space<vmem>>
      %dma_start3A_201 = arith.constant 0 : i32
      %dma_start3A_202 = arith.constant 0 : i32
      %dma_start3A_203 = arith.constant 0 : i32
      %dma_start3A_204 = tpu.memref_slice %arg4[%add3A_131, %dma_start3A_201, %add3A, %dma_start3A_202, %dma_start3A_203] : memref<200x8x32x8x128xf32, #tpu.memory_space<hbm>> -> memref<1x8x1x8x128xf32, #tpu.memory_space<hbm>>
      %dma_start3A_205 = tpu.memref_squeeze %dma_start3A_204 : memref<1x8x1x8x128xf32, #tpu.memory_space<hbm>> -> memref<8x8x128xf32, #tpu.memory_space<hbm>>
      %dma_start3A_206 = arith.constant 0 : i32
      %dma_start3A_207 = arith.constant 0 : i32
      %dma_start3A_208 = arith.constant 0 : i32
      %dma_start3A_209 = tpu.memref_slice %arg4[%add3A_131, %dma_start3A_206, %add3A, %dma_start3A_207, %dma_start3A_208] : memref<200x8x32x8x128xf32, #tpu.memory_space<hbm>> -> memref<1x8x1x8x128xf32, #tpu.memory_space<hbm>>
      %dma_start3A_210 = tpu.memref_squeeze %dma_start3A_209 : memref<1x8x1x8x128xf32, #tpu.memory_space<hbm>> -> memref<8x8x128xf32, #tpu.memory_space<hbm>>
      %dma_start3A_211 = arith.constant 0 : i32
      %dma_start3A_212 = arith.constant 0 : i32
      %dma_start3A_213 = arith.constant 0 : i32
      %dma_start3A_214 = tpu.memref_slice %arg9[%dma_start3A_211, %dma_start3A_212, %dma_start3A_213] : memref<8x8x129xf32, #tpu.memory_space<vmem>> -> memref<8x8x128xf32, #tpu.memory_space<vmem>>
      tpu.enqueue_dma source(%dma_start3A_214 : memref<8x8x128xf32, #tpu.memory_space<vmem>>) target(%dma_start3A_210 : memref<8x8x128xf32, #tpu.memory_space<hbm>>) target_semaphore(%arg13 : memref<!tpu.dma_semaphore, #tpu.memory_space<semaphore_mem>>)
    }
    %scan3A_13 = arith.constant 100 : i32
    %dma_wait3A = arith.constant 198 : i32
    %dma_wait3A_14 = arith.constant 0 : i32
    %dma_wait3A_15 = arith.constant 0 : i32
    %dma_wait3A_16 = arith.constant 0 : i32
    %dma_wait3A_17 = tpu.memref_slice %arg8[%dma_wait3A_14, %dma_wait3A_15, %dma_wait3A_16] : memref<8x8x129xf32, #tpu.memory_space<vmem>> -> memref<8x8x128xf32, #tpu.memory_space<vmem>>
    %dma_wait3A_18 = arith.constant 0 : i32
    %dma_wait3A_19 = arith.constant 0 : i32
    %dma_wait3A_20 = arith.constant 0 : i32
    %dma_wait3A_21 = tpu.memref_slice %arg4[%dma_wait3A, %dma_wait3A_18, %add3A, %dma_wait3A_19, %dma_wait3A_20] : memref<200x8x32x8x128xf32, #tpu.memory_space<hbm>> -> memref<1x8x1x8x128xf32, #tpu.memory_space<hbm>>
    %dma_wait3A_22 = tpu.memref_squeeze %dma_wait3A_21 : memref<1x8x1x8x128xf32, #tpu.memory_space<hbm>> -> memref<8x8x128xf32, #tpu.memory_space<hbm>>
    %dma_wait3A_23 = arith.constant 0 : i32
    %dma_wait3A_24 = arith.constant 0 : i32
    %dma_wait3A_25 = arith.constant 0 : i32
    %dma_wait3A_26 = tpu.memref_slice %arg4[%dma_wait3A, %dma_wait3A_23, %add3A, %dma_wait3A_24, %dma_wait3A_25] : memref<200x8x32x8x128xf32, #tpu.memory_space<hbm>> -> memref<1x8x1x8x128xf32, #tpu.memory_space<hbm>>
    %dma_wait3A_27 = tpu.memref_squeeze %dma_wait3A_26 : memref<1x8x1x8x128xf32, #tpu.memory_space<hbm>> -> memref<8x8x128xf32, #tpu.memory_space<hbm>>
    %dma_wait3A_28 = arith.constant 0 : i32
    %dma_wait3A_29 = arith.constant 0 : i32
    %dma_wait3A_30 = arith.constant 0 : i32
    %dma_wait3A_31 = tpu.memref_slice %arg8[%dma_wait3A_28, %dma_wait3A_29, %dma_wait3A_30] : memref<8x8x129xf32, #tpu.memory_space<vmem>> -> memref<8x8x128xf32, #tpu.memory_space<vmem>>
    tpu.wait_dma2 semaphore(%arg12 : memref<!tpu.dma_semaphore, #tpu.memory_space<semaphore_mem>>) src(%dma_wait3A_31 : memref<8x8x128xf32, #tpu.memory_space<vmem>>) dst(%dma_wait3A_27 : memref<8x8x128xf32, #tpu.memory_space<hbm>>)
    %dma_wait3A_32 = arith.constant 199 : i32
    %dma_wait3A_33 = arith.constant 0 : i32
    %dma_wait3A_34 = arith.constant 0 : i32
    %dma_wait3A_35 = arith.constant 0 : i32
    %dma_wait3A_36 = tpu.memref_slice %arg9[%dma_wait3A_33, %dma_wait3A_34, %dma_wait3A_35] : memref<8x8x129xf32, #tpu.memory_space<vmem>> -> memref<8x8x128xf32, #tpu.memory_space<vmem>>
    %dma_wait3A_37 = arith.constant 0 : i32
    %dma_wait3A_38 = arith.constant 0 : i32
    %dma_wait3A_39 = arith.constant 0 : i32
    %dma_wait3A_40 = tpu.memref_slice %arg4[%dma_wait3A_32, %dma_wait3A_37, %add3A, %dma_wait3A_38, %dma_wait3A_39] : memref<200x8x32x8x128xf32, #tpu.memory_space<hbm>> -> memref<1x8x1x8x128xf32, #tpu.memory_space<hbm>>
    %dma_wait3A_41 = tpu.memref_squeeze %dma_wait3A_40 : memref<1x8x1x8x128xf32, #tpu.memory_space<hbm>> -> memref<8x8x128xf32, #tpu.memory_space<hbm>>
    %dma_wait3A_42 = arith.constant 0 : i32
    %dma_wait3A_43 = arith.constant 0 : i32
    %dma_wait3A_44 = arith.constant 0 : i32
    %dma_wait3A_45 = tpu.memref_slice %arg4[%dma_wait3A_32, %dma_wait3A_42, %add3A, %dma_wait3A_43, %dma_wait3A_44] : memref<200x8x32x8x128xf32, #tpu.memory_space<hbm>> -> memref<1x8x1x8x128xf32, #tpu.memory_space<hbm>>
    %dma_wait3A_46 = tpu.memref_squeeze %dma_wait3A_45 : memref<1x8x1x8x128xf32, #tpu.memory_space<hbm>> -> memref<8x8x128xf32, #tpu.memory_space<hbm>>
    %dma_wait3A_47 = arith.constant 0 : i32
    %dma_wait3A_48 = arith.constant 0 : i32
    %dma_wait3A_49 = arith.constant 0 : i32
    %dma_wait3A_50 = tpu.memref_slice %arg9[%dma_wait3A_47, %dma_wait3A_48, %dma_wait3A_49] : memref<8x8x129xf32, #tpu.memory_space<vmem>> -> memref<8x8x128xf32, #tpu.memory_space<vmem>>
    tpu.wait_dma2 semaphore(%arg13 : memref<!tpu.dma_semaphore, #tpu.memory_space<semaphore_mem>>) src(%dma_wait3A_50 : memref<8x8x128xf32, #tpu.memory_space<vmem>>) dst(%dma_wait3A_46 : memref<8x8x128xf32, #tpu.memory_space<hbm>>)
    return
  }
}

</mosaic_0001>

<sc_bundles>
// kernel: _sc_gather.3.cloned.1.call-start
scs
__scs_entry_jumppad:
0x0: {  	(pc) =	sbr.rel $0x88, $3  }
0x1: {  	(tag) =	ssettag $0x0;
	lr =	simm.s32 $0x1  }
0x2: {  	[smem:$0x3F9F] =	sst lr;
	_ =	strace $0xD0000000  }
0x3: {  	_ = 	snop  }
0x4: {  	_ = 	snop  }
0x5: {  	_ = 	snop  }
0x6: {  	_ = 	snop  }
0x7: {  	_ = 	snop  }
__scs_overlays_trampoline_lowered:
0x8: {  	[smem:$0x3FAE] =	sst s0  }
0x9: {  	[smem:$0x3FAF] =	sst s1  }
0xa: {  	[smem:$0x3FB0] =	sst s2  }
0xb: {  	[smem:$0x3FB1] =	sst s3  }
0xc: {  	[smem:$0x3FB2] =	sst s4  }
0xd: {  	[smem:$0x3FB3] =	sst s5  }
0xe: {  	[smem:$0x3FB4] =	sst s6  }
0xf: {  	[smem:$0x3FB5] =	sst s7  }
0x10: {  	[smem:$0x3FB6] =	sst s8  }
0x11: {  	[smem:$0x3FB7] =	sst s9;
	s0 =	simm.s32 @!p0 $0x0  }
0x12: {  	s1 =	sld [smem:$0x3F9D];
	s0 =	simm.s32 @p0 $0x1  }
0x13: {  	[smem:$0x3FB8] =	sst s0;
	s0 =	simm.s32 @!p1 $0x0  }
0x14: {  	s2 =	sld [smem:$0x3F9C];
	s0 =	simm.s32 @p1 $0x1  }
0x15: {  	[smem:$0x3FB9] =	sst s0;
	s0 =	simm.s32 @!p2 $0x0  }
0x16: {  	s3 =	sld [smem:$0x3FDB];
	s0 =	simm.s32 @p2 $0x1  }
0x17: {  	s4 =	simm.s32 $0x1BF5;
	[smem:$0x3FBB] =	sst s0  }
0x18: {  	s0 =	sld [smem:$0x3F9E];
	_ =	swait.ge [sflag:s4], $0x0  }
0x19: {  	s7 =	sld [smem:$0x3F9F]  }
0x1a: {  	s8 =	sadd.s32 $0xFFFFE003, lr  }
0x1b: {  	s9 =	sadd.s32 $0xFFFFFEF7, lr;
	s5 =	simm.s32 $0xFFFFFFFF;
	p2 =	slt.u32 s8, $0xFFFFF086  }
0x1c: {  	p1 =	slt.u32 s9, $0xF7A;
	s5 =	simm.s32 @!p2 $0x0  }
0x1d: {  	s5 =	simm.s32 @p1 $0x1;
	p0 =	seq.s32 s7, s2  }
0x1e: {  	s7 =	smul.u32 @!p0 $0xF7A, s2;
	p2 =	seq.s32 @!p0 s5, $0x0  }
0x1f: {  	s9 =	smul.u32 $0xF7A, s1;
	s8 =	simm.s32 @!p0 $0x1BF5;
	p2 =	por !p2, p0  }
0x20: {  	[sflag:s8] =	ssyncset.s32 @!p0 $0xFFFFF086;
	s6 =	sadd.s32 @!p0 s3, s7;
	s7 =	simm.s32 @!p0 $0x108  }
0x21: {  	s3 =	sadd.s32 s3, s9;
	s6 =	sadd.s32 @!p0 $0x88, s6;
	s7 =	simm.s32 @p2 $0x1082  }
0x22: {  	[simem:s7], [sflag:s8] =	dma.local @!p0 [hbm:s6], $0xF7A  }
0x23: {  	s9 =	sor.u32 $0xD0000000, s2;
	s6 =	simm.s32 $0x108;
	_ =	swait.ge @!p0 [sflag:s8], $0x0  }
0x24: {  	s3 =	sadd.s32 $0x88, s3;
	s6 =	simm.s32 @!p1 $0x1082;
	[sflag:s4] =	ssyncset.s32 $0xFFFFF086  }
0x25: {  	[simem:s6], [sflag:s4] =	dma.local [hbm:s3], $0xF7A  }
0x26: {  	[smem:$0x3F9F] =	sst s1;
	(tag) =	ssettag s2;
	_ =	strace s9  }
0x27: {  	s1 =	sld [smem:$0x3FAF]  }
0x28: {  	s2 =	sld [smem:$0x3FB0]  }
0x29: {  	s4 =	sld [smem:$0x3FB2]  }
0x2a: {  	p0 =	seq.s32 s5, $0x0;
	s5 =	sld [smem:$0x3FB3]  }
0x2b: {  	s6 =	sld [smem:$0x3FB4]  }
0x2c: {  	s7 =	sld [smem:$0x3FB5]  }
0x2d: {  	s3 =	simm.s32 $0x108;
	s8 =	sld [smem:$0x3FB6]  }
0x2e: {  	s3 =	simm.s32 @!p0 $0x1082;
	s9 =	sld [smem:$0x3FB7]  }
0x2f: {  	lr =	sadd.s32 s0, s3;
	s0 =	sld [smem:$0x3FAE]  }
0x30: {  	s3 =	sld [smem:$0x3FB1]  }
0x31: {  	[smem:$0x3FBA] =	sst s10  }
0x32: {  	s10 =	sld [smem:$0x3FB8];
	_ =	sdelay $0x3  }
0x33: {  	p0 =	seq.s32 s10, $0x1;
	s10 =	sld [smem:$0x3FBA];
	_ =	sdelay $0x3  }
0x34: {  	[smem:$0x3FBA] =	sst s10  }
0x35: {  	s10 =	sld [smem:$0x3FB9];
	_ =	sdelay $0x3  }
0x36: {  	p1 =	seq.s32 s10, $0x1;
	s10 =	sld [smem:$0x3FBA];
	_ =	sdelay $0x3  }
0x37: {  	[smem:$0x3FBA] =	sst s10  }
0x38: {  	s10 =	sld [smem:$0x3FBB]  }
0x39: {  	_ = 	snop;
	(pc) =	sbr.ind lr, $3  }
0x3a: {  	_ = 	snop  }
0x3b: {  	_ = 	snop  }
0x3c: {  	p2 =	seq.s32 s10, $0x1;
	s10 =	sld [smem:$0x3FBA]  }
0x3d: {  	_ =	shalt  }
0x3e: {  	_ =	shalt  }
0x3f: {  	_ =	shalt  }
0x40: {  	_ =	shalt  }
0x41: {  	_ =	shalt  }
0x42: {  	_ =	shalt  }
0x43: {  	_ =	shalt  }
0x44: {  	_ =	shalt  }
0x45: {  	_ =	shalt  }
0x46: {  	_ =	shalt  }
0x47: {  	_ =	shalt  }
0x48: {  	_ =	shalt  }
0x49: {  	_ =	shalt  }
0x4a: {  	_ =	shalt  }
0x4b: {  	_ =	shalt  }
0x4c: {  	_ =	shalt  }
0x4d: {  	_ =	shalt  }
0x4e: {  	_ =	shalt  }
0x4f: {  	_ =	shalt  }
0x50: {  	_ =	shalt  }
0x51: {  	_ =	shalt  }
0x52: {  	_ =	shalt  }
0x53: {  	_ =	shalt  }
0x54: {  	_ =	shalt  }
0x55: {  	_ =	shalt  }
0x56: {  	_ =	shalt  }
0x57: {  	_ =	shalt  }
0x58: {  	_ =	shalt  }
0x59: {  	_ =	shalt  }
0x5a: {  	_ =	shalt  }
0x5b: {  	_ =	shalt  }
0x5c: {  	_ =	shalt  }
0x5d: {  	_ =	shalt  }
0x5e: {  	_ =	shalt  }
0x5f: {  	_ =	shalt  }
0x60: {  	_ =	shalt  }
0x61: {  	_ =	shalt  }
0x62: {  	_ =	shalt  }
0x63: {  	_ =	shalt  }
0x64: {  	_ =	shalt  }
0x65: {  	_ =	shalt  }
0x66: {  	_ =	shalt  }
0x67: {  	_ =	shalt  }
0x68: {  	_ =	shalt  }
0x69: {  	_ =	shalt  }
0x6a: {  	_ =	shalt  }
0x6b: {  	_ =	shalt  }
0x6c: {  	_ =	shalt  }
0x6d: {  	_ =	shalt  }
0x6e: {  	_ =	shalt  }
0x6f: {  	_ =	shalt  }
0x70: {  	_ =	shalt  }
0x71: {  	_ =	shalt  }
0x72: {  	_ =	shalt  }
0x73: {  	_ =	shalt  }
0x74: {  	_ =	shalt  }
0x75: {  	_ =	shalt  }
0x76: {  	_ =	shalt  }
0x77: {  	_ =	shalt  }
0x78: {  	_ =	shalt  }
0x79: {  	_ =	shalt  }
0x7a: {  	_ =	shalt  }
0x7b: {  	_ =	shalt  }
0x7c: {  	_ =	shalt  }
0x7d: {  	_ =	shalt  }
0x7e: {  	_ =	shalt  }
0x7f: {  	_ =	shalt  }
0x80: {  	_ =	shalt  }
0x81: {  	_ =	shalt  }
0x82: {  	_ =	shalt  }
0x83: {  	_ =	shalt  }
0x84: {  	_ =	shalt  }
0x85: {  	_ =	shalt  }
0x86: {  	_ =	shalt  }
0x87: {  	_ =	shalt  }
.Lfunc_end0:
.L_simem_size_0:
called_computation_lowered:
.L_overlay_start_0:
0x88: {  	s2 =	sld [smem:$0x3FD9]  }
0x89: {  	s3 =	sld [smem:$0x3FFE];
	_ =	sdelay $0x1  }
0x8a: {  	s1 =	srdreg.scid  }
0x8b: {  	s0 =	sand.u32 $0x1, s1  }
0x8c: {  	s17 =	sshll.u32 s0, $0xA;
	s2 =	sadd.s32 s3, s2  }
0x8d: {  	s2 =	sadd.s32 s2, s17  }
0x8e: {  	[smem:$0x3FC6] =	sst s2  }
0x8f: {  	_ = 	snop  }
0x90: {  	s2 =	sld [smem:$0x3FD0];
	(tm) =	ssettm $0x1  }
0x91: {  	s18 =	sld [smem:$0x3FFB];
	_ =	sdelay $0x3  }
0x92: {  	_ =	strace s18  }
0x93: {  	s3 =	sld [smem:$0x3FFC];
	_ =	sdelay $0x3  }
0x94: {  	_ =	strace s3  }
0x95: {  	s3 =	sld [smem:$0x3FFD];
	_ =	sdelay $0x3  }
0x96: {  	_ =	strace s3  }
0x97: {  	_ =	strace $0x8FFFFFFF  }
0x98: {  	s19 =	sld [smem:$0x3FDB];
	_ =	sdelay $0x1  }
0x99: {  	s4 =	simm.s32 $_scs_section_size  }
0x9a: {  	s5 =	simm.s32 $_size__tile_overlayer_lowered;
	s6 =	simm.s32 $_tile_overlayer_lowered  }
0x9b: {  	s22 =	simm.s32 $0x1BFF;
	s21 =	sshll.u32 s6, $0x1;
	s3 =	sadd.s32 s4, s19  }
0x9c: {  	s7 =	simm.s32 $0x0;
	s20 =	sshll.u32 s5, $0x1;
	s5 =	sadd.s32 s21, s3  }
0x9d: {  	[timem:s7], [sflag:s22] =	dma.local [hbm:s5], s20  }
0x9e: {  	_ =	swait.ge [sflag:s22], s20  }
0x9f: {  	s4 =	ssub.s32 $0x0, s20;
	[sflag:s22] =	ssyncset.done $0x0  }
0xa0: {  	[sflag:s22] =	ssyncadd.s32 s4;
	_ =	sdelay $0x1  }
0xa1: {  	s23 =	simm.s32 $0x1B8B  }
0xa2: {  	_ =	swait.ge [sflag:s23], $0x1  }
0xa3: {  	[sflag:s23] =	ssyncset.done $0x0  }
0xa4: {  	s25 =	simm.s32 $0x1B8E;
	s24 =	sld [smem:$0x3FFE];
	[sflag:s23] =	ssyncadd.s32 $0xFFFFFFFF  }
0xa5: {  	s26 =	simm.s32 $execute0_lowered;
	[smem:$0x3FD2] =	sst s25  }
0xa6: {  	s5 =	sshll.u32 s26, $0x1;
	_ =	strace $0x80000046;
	[dreg:$0x1] =	wrdreg $0xFFFFFFFF  }
0xa7: {  	s28 =	simm.s32 $_size_execute0_lowered;
	s3 =	sadd.s32 s3, s5;
	[dreg:$0x0] =	wrdreg $0x0  }
0xa8: {  	s5 =	sshll.u32 s28, $0x1;
	[dreg:$0x2] =	wrdreg s3  }
0xa9: {  	[dreg:$0x3] =	wrdreg s5  }
0xaa: {  	[dreg:$0x4] =	wrdreg $0xC0  }
0xab: {  	_ =	task [dreg:s7], $0x5FFFF  }
0xac: {  	[dreg:$0x1] =	wrdreg $0xFFFFFFFF  }
0xad: {  	[dreg:$0x0] =	wrdreg $0x60  }
0xae: {  	[dreg:$0x2] =	wrdreg s24  }
0xaf: {  	[dreg:$0x3] =	wrdreg s2  }
0xb0: {  	[dreg:$0x4] =	wrdreg $0x9  }
0xb1: {  	_ =	task.clear_ibuf [dreg:s7], $0x5FFFF;
	_ =	strace $0x90000046  }
0xb2: {  	s29 =	simm.s32 $0x9;
	_ =	strace $0x80000048  }
0xb3: {  	_ =	swait.ge [sflag:s29], $0x1  }
0xb4: {  	[sflag:s29] =	ssyncadd.s32 $0xFFFFFFFF  }
0xb5: {  	_ =	strace $0x90000048  }
0xb6: {  	_ =	sfence  }
0xb7: {  	s30 =	sld [smem:$0x0];
	_ =	sdelay $0x2  }
0xb8: {  	s31 =	sshll.u32 s1, $0xD;
	s1 =	sshrl.u32 s1, $0x2  }
0xb9: {  	s3 =	sand.u32 $0x4000, s31;
	s1 =	sadd.s32 s1, s30  }
0xba: {  	s0 =	sor.u32 s3, s0;
	s1 =	sshll.u32 s1, $0x11  }
0xbb: {  	s0 =	sor.u32 s1, s0  }
0xbc: {  	s0 =	sadd.s32 $0x8F2B, s0  }
0xbd: {  	[sflag:s0] =	ssyncadd.remote.s32 $0x1  }
0xbe: {  	_ =	sfence.sel $0xFFFF  }
0xbf: {  	[dreg:$0x0] =	wrdreg $0xFFFFFFFF;
	(pc) =	sbr.abs _section_cstart, $3  }
0xc0: {  	[dreg:$0x1] =	wrdreg $0xFFFFFFFF  }
0xc1: {  	_ =	task.clear_ibuf [dreg:s7], $0x2FFFF;
	_ =	strace $0x9FFFFFFF  }
0xc2: {  	(tm) =	ssettm $0x7FFFFFFF  }
0xc3: {  	_ =	shalt  }
tec
execute0_lowered:
.L_overlay_start_1:
0x0: {  	(tag) =	ssettag $0x1  }
0x1: {  	v0 =	vlaneseq.u32  }
0x2: {  	s5 =	rddreg [dreg:$0x0];
	v1 =	vmul.u32 $0x88, v0  }
0x3: {  	s1 =	rddreg [dreg:$0x1];
	v2 =	vor.u32 $0x10, v0  }
0x4: {  	s0 =	rddreg [dreg:$0x2];
	v4 =	vor.u32 $0x20, v0;
	v6 =	vor.u32 $0x30, v0;
	v3 =	vadd.s32 $0x880, v1  }
0x5: {  	s4 =	srdreg.scid;
	s2 =	stileid.u32;
	v5 =	vadd.s32 $0x1100, v1;
	v7 =	vadd.s32 $0x1980, v1;
	v8 =	vor.u32 $0x1, v1  }
0x6: {  	s3 =	simm.s32 $0x0;
	s10 =	simm.s32 $0x5;
	s11 =	simm.s32 $0x6400;
	v9 =	vadd.s32 $0x881, v1;
	v10 =	vadd.s32 $0x1101, v1;
	v11 =	vadd.s32 $0x1981, v1  }
0x7: {  	s12 =	simm.s32 $0x1;
	s13 =	simm.s32 $0x8400;
	s14 =	simm.s32 $0xA400;
	v12 =	vor.u32 $0x2, v1;
	v13 =	vadd.s32 $0x882, v1;
	v14 =	vadd.s32 $0x1102, v1  }
0x8: {  	s15 =	simm.s32 $0x2;
	s16 =	simm.s32 $0xC600;
	s17 =	simm.s32 $0x3;
	v15 =	vadd.s32 $0x1982, v1;
	v16 =	vor.u32 $0x3, v1;
	v17 =	vadd.s32 $0x883, v1  }
0x9: {  	s18 =	simm.s32 $0x4;
	s4 =	sand.u32 $0x1, s4;
	s6 =	sshll.u32 s2, $0x1;
	v18 =	vadd.s32 $0x1103, v1;
	v19 =	vadd.s32 $0x1983, v1;
	v20 =	vor.u32 $0x4, v1  }
0xa: {  	s19 =	simm.s32 $0x0;
	[smem:$0x7FF] =	sst s3;
	s6 =	sor.u32 s4, s6;
	v21 =	vadd.s32 $0x884, v1;
	v22 =	vadd.s32 $0x1104, v1;
	v23 =	vadd.s32 $0x1984, v1  }
0xb: {  	s7 =	ssub.s32 $0x2, s4;
	_ =	strace $0x80000047;
	s4 =	sadd.s32 $0xF42A00, s5;
	v24 =	vor.u32 $0x5, v1;
	v25 =	vadd.s32 $0x885, v1;
	v26 =	vadd.s32 $0x1105, v1  }
0xc: {  	s8 =	sshll.u32 s6, $0x4;
	s9 =	sshrl.u32 s7, $0x1;
	s6 =	sshll.u32 s6, $0xA;
	v27 =	vadd.s32 $0x1985, v1;
	v28 =	vor.u32 $0x6, v1;
	v29 =	vadd.s32 $0x886, v1  }
0xd: {  	v30 =	vadd.s32 $0x1106, v1;
	v31 =	vadd.s32 $0x1986, v1;
	v32 =	vor.u32 $0x7, v1;
	s5 =	sadd.s32 s8, s5;
	s7 =	ssub.s32 s7, s9;
	s8 =	simm.s32 $0x80  }
0xe: {  	v33 =	vadd.s32 $0x887, v1;
	v34 =	vadd.s32 $0x1107, v1;
	v35 =	vadd.s32 $0x1987, v1;
	s9 =	simm.s32 $0x1000;
	s5 =	sadd.s32 $0x600, s5;
	s7 =	smax.u32 s7, $0x1  }
.LBB2_1:
0xf: {  	[tilespmem:s3], [sflag:$0x5] =	stream.strided.gather [hbm4b:s5+s8], $0x6400, s9, s8, $0x38;
	[tilespmem:$0xE800] =	vst v63  }
0x10: {  	_ =	swait.ge [sflag:s10], $0x6400  }
0x11: {  	[sflag:s10] =	ssyncset.done $0x0  }
0x12: {  	s20 =	simm.s32 $0x0;
	[sflag:s10] =	ssyncadd.s32 $0xFFFF9C00  }
0x13: {  	[tilespmem:s11], [sflag:$0x1] =	stream.indirect.gather [hbm4b:s4+s8], $0x40, s3, s8, $0xb8;
	[tilespmem:$0xE800] =	vst v63  }
.LBB2_2:
0x14: {  	_ =	swait.ge [sflag:s12], $0x2000;
	s21 =	sshllo.u32 s20, $0x1;
	s23 =	simm.s32 $0x0  }
0x15: {  	[sflag:s12] =	ssyncset.done $0x0;
	s22 =	sshll.u32 s21, $0x7;
	v36 =	vmov s23  }
0x16: {  	p0 =	seq.s32 s20, $0x0;
	[sflag:s12] =	ssyncadd.s32 $0xFFFFE000;
	s22 =	sand.u32 $0x3FFFFF80, s22;
	v36 =	vshll.u32 v36, $0x6  }
0x17: {  	[tilespmem:s13], [sflag:$0x2] =	stream.indirect.gather [hbm4b:s4+s8], $0x40, s22, s8, $0xb8;
	v37 =	vor.u32 v0, v36;
	[tilespmem:$0xE800] =	vst v63  }
0x18: {  	s22 =	simm.s32 @!p0 $0x3  }
0x19: {  	_ =	swait.ge @!p0 [sflag:s22], $0x2000  }
0x1a: {  	[sflag:s22] =	ssyncset.done @!p0 $0x0  }
0x1b: {  	[sflag:s22] =	ssyncadd.s32 @!p0 $0xFFFFE000  }
0x1c: {  	v38 =	vadd.s32 s23, v1;
	v37 =	vld.idx.msk [tilespmem:v37+s11+$0x0], $0xffff  }
0x1d: {  	v39 =	vor.u32 v2, v36;
	_ =	sdelay $0x3  }
0x1e: {  	[tilespmem:v38+s14+$0x0] =	vst.idx.msk $0xffff, v37  }
0x1f: {  	v52 =	vadd.s32 s23, v3;
	v37 =	vld.idx.msk [tilespmem:v39+s11+$0x0], $0xffff  }
0x20: {  	v53 =	vor.u32 v4, v36;
	_ =	sdelay $0x3  }
0x21: {  	[tilespmem:v52+s14+$0x0] =	vst.idx.msk $0xffff, v37  }
0x22: {  	v54 =	vadd.s32 s23, v5;
	v37 =	vld.idx.msk [tilespmem:v53+s11+$0x0], $0xffff  }
0x23: {  	v36 =	vor.u32 v6, v36;
	_ =	sdelay $0x2  }
0x24: {  	s24 =	simm.s32 $0x1  }
0x25: {  	v55 =	vmov s24;
	[tilespmem:v54+s14+$0x0] =	vst.idx.msk $0xffff, v37  }
0x26: {  	v56 =	vadd.s32 s23, v7;
	v57 =	vshll.u32 v55, $0x6;
	v36 =	vld.idx.msk [tilespmem:v36+s11+$0x0], $0xffff  }
0x27: {  	v40 =	vor.u32 v0, v57;
	_ =	sdelay $0x3  }
0x28: {  	v58 =	vand.u32 $0x78, v55;
	[tilespmem:v56+s14+$0x0] =	vst.idx.msk $0xffff, v36  }
0x29: {  	v60 =	vadd.s32 v8, v58;
	v59 =	vld.idx.msk [tilespmem:v40+s11+$0x0], $0xffff  }
0x2a: {  	v61 =	vor.u32 v2, v57;
	_ =	sdelay $0x3  }
0x2b: {  	[tilespmem:v60+s14+$0x0] =	vst.idx.msk $0xffff, v59  }
0x2c: {  	v62 =	vadd.s32 v9, v58;
	v37 =	vld.idx.msk [tilespmem:v61+s11+$0x0], $0xffff  }
0x2d: {  	v63 =	vor.u32 v4, v57;
	_ =	sdelay $0x3  }
0x2e: {  	[tilespmem:v62+s14+$0x0] =	vst.idx.msk $0xffff, v37  }
0x2f: {  	v44 =	vadd.s32 v10, v58;
	v37 =	vld.idx.msk [tilespmem:v63+s11+$0x0], $0xffff  }
0x30: {  	v39 =	vor.u32 v6, v57;
	_ =	sdelay $0x2  }
0x31: {  	s25 =	simm.s32 $0x2  }
0x32: {  	v45 =	vmov s25;
	[tilespmem:v44+s14+$0x0] =	vst.idx.msk $0xffff, v37  }
0x33: {  	v46 =	vshll.u32 v45, $0x6;
	v36 =	vadd.s32 v11, v58;
	v38 =	vld.idx.msk [tilespmem:v39+s11+$0x0], $0xffff  }
0x34: {  	v47 =	vor.u32 v0, v46;
	_ =	sdelay $0x3  }
0x35: {  	v48 =	vand.u32 $0x78, v45;
	[tilespmem:v36+s14+$0x0] =	vst.idx.msk $0xffff, v38  }
0x36: {  	v50 =	vadd.s32 v12, v48;
	v49 =	vld.idx.msk [tilespmem:v47+s11+$0x0], $0xffff  }
0x37: {  	v51 =	vor.u32 v2, v46;
	_ =	sdelay $0x3  }
0x38: {  	[tilespmem:v50+s14+$0x0] =	vst.idx.msk $0xffff, v49  }
0x39: {  	v52 =	vadd.s32 v13, v48;
	v37 =	vld.idx.msk [tilespmem:v51+s11+$0x0], $0xffff  }
0x3a: {  	v53 =	vor.u32 v4, v46;
	_ =	sdelay $0x3  }
0x3b: {  	[tilespmem:v52+s14+$0x0] =	vst.idx.msk $0xffff, v37  }
0x3c: {  	v54 =	vadd.s32 v14, v48;
	v37 =	vld.idx.msk [tilespmem:v53+s11+$0x0], $0xffff  }
0x3d: {  	v39 =	vor.u32 v6, v46;
	_ =	sdelay $0x2  }
0x3e: {  	s26 =	simm.s32 $0x3  }
0x3f: {  	v55 =	vmov s26;
	[tilespmem:v54+s14+$0x0] =	vst.idx.msk $0xffff, v37  }
0x40: {  	v56 =	vshll.u32 v55, $0x6;
	v36 =	vadd.s32 v15, v48;
	v38 =	vld.idx.msk [tilespmem:v39+s11+$0x0], $0xffff  }
0x41: {  	v57 =	vor.u32 v0, v56;
	_ =	sdelay $0x3  }
0x42: {  	v58 =	vand.u32 $0x78, v55;
	[tilespmem:v36+s14+$0x0] =	vst.idx.msk $0xffff, v38  }
0x43: {  	v60 =	vadd.s32 v16, v58;
	v59 =	vld.idx.msk [tilespmem:v57+s11+$0x0], $0xffff  }
0x44: {  	v61 =	vor.u32 v2, v56;
	_ =	sdelay $0x3  }
0x45: {  	[tilespmem:v60+s14+$0x0] =	vst.idx.msk $0xffff, v59  }
0x46: {  	v62 =	vadd.s32 v17, v58;
	v37 =	vld.idx.msk [tilespmem:v61+s11+$0x0], $0xffff  }
0x47: {  	v63 =	vor.u32 v4, v56;
	_ =	sdelay $0x3  }
0x48: {  	[tilespmem:v62+s14+$0x0] =	vst.idx.msk $0xffff, v37  }
0x49: {  	v44 =	vadd.s32 v18, v58;
	v37 =	vld.idx.msk [tilespmem:v63+s11+$0x0], $0xffff  }
0x4a: {  	v39 =	vor.u32 v6, v56;
	_ =	sdelay $0x2  }
0x4b: {  	s28 =	simm.s32 $0x4  }
0x4c: {  	v45 =	vmov s28;
	[tilespmem:v44+s14+$0x0] =	vst.idx.msk $0xffff, v37  }
0x4d: {  	v46 =	vshll.u32 v45, $0x6;
	v36 =	vadd.s32 v19, v58;
	v38 =	vld.idx.msk [tilespmem:v39+s11+$0x0], $0xffff  }
0x4e: {  	v47 =	vor.u32 v0, v46;
	_ =	sdelay $0x3  }
0x4f: {  	v48 =	vand.u32 $0x78, v45;
	[tilespmem:v36+s14+$0x0] =	vst.idx.msk $0xffff, v38  }
0x50: {  	v50 =	vadd.s32 v20, v48;
	v49 =	vld.idx.msk [tilespmem:v47+s11+$0x0], $0xffff  }
0x51: {  	v51 =	vor.u32 v2, v46;
	_ =	sdelay $0x3  }
0x52: {  	[tilespmem:v50+s14+$0x0] =	vst.idx.msk $0xffff, v49  }
0x53: {  	v52 =	vadd.s32 v21, v48;
	v37 =	vld.idx.msk [tilespmem:v51+s11+$0x0], $0xffff  }
0x54: {  	v53 =	vor.u32 v4, v46;
	_ =	sdelay $0x3  }
0x55: {  	[tilespmem:v52+s14+$0x0] =	vst.idx.msk $0xffff, v37  }
0x56: {  	v54 =	vadd.s32 v22, v48;
	v37 =	vld.idx.msk [tilespmem:v53+s11+$0x0], $0xffff  }
0x57: {  	v39 =	vor.u32 v6, v46;
	_ =	sdelay $0x2  }
0x58: {  	s29 =	simm.s32 $0x5  }
0x59: {  	v55 =	vmov s29;
	[tilespmem:v54+s14+$0x0] =	vst.idx.msk $0xffff, v37  }
0x5a: {  	v56 =	vshll.u32 v55, $0x6;
	v36 =	vadd.s32 v23, v48;
	v38 =	vld.idx.msk [tilespmem:v39+s11+$0x0], $0xffff  }
0x5b: {  	v57 =	vor.u32 v0, v56;
	_ =	sdelay $0x3  }
0x5c: {  	v58 =	vand.u32 $0x78, v55;
	[tilespmem:v36+s14+$0x0] =	vst.idx.msk $0xffff, v38  }
0x5d: {  	v60 =	vadd.s32 v24, v58;
	v59 =	vld.idx.msk [tilespmem:v57+s11+$0x0], $0xffff  }
0x5e: {  	v61 =	vor.u32 v2, v56;
	_ =	sdelay $0x3  }
0x5f: {  	[tilespmem:v60+s14+$0x0] =	vst.idx.msk $0xffff, v59  }
0x60: {  	v62 =	vadd.s32 v25, v58;
	v37 =	vld.idx.msk [tilespmem:v61+s11+$0x0], $0xffff  }
0x61: {  	v63 =	vor.u32 v4, v56;
	_ =	sdelay $0x3  }
0x62: {  	[tilespmem:v62+s14+$0x0] =	vst.idx.msk $0xffff, v37  }
0x63: {  	v44 =	vadd.s32 v26, v58;
	v37 =	vld.idx.msk [tilespmem:v63+s11+$0x0], $0xffff  }
0x64: {  	v39 =	vor.u32 v6, v56;
	_ =	sdelay $0x2  }
0x65: {  	s30 =	simm.s32 $0x6  }
0x66: {  	v45 =	vmov s30;
	[tilespmem:v44+s14+$0x0] =	vst.idx.msk $0xffff, v37  }
0x67: {  	v46 =	vshll.u32 v45, $0x6;
	v36 =	vadd.s32 v27, v58;
	v38 =	vld.idx.msk [tilespmem:v39+s11+$0x0], $0xffff  }
0x68: {  	v47 =	vor.u32 v0, v46;
	_ =	sdelay $0x3  }
0x69: {  	v48 =	vand.u32 $0x78, v45;
	[tilespmem:v36+s14+$0x0] =	vst.idx.msk $0xffff, v38  }
0x6a: {  	v50 =	vadd.s32 v28, v48;
	v49 =	vld.idx.msk [tilespmem:v47+s11+$0x0], $0xffff  }
0x6b: {  	v51 =	vor.u32 v2, v46;
	_ =	sdelay $0x3  }
0x6c: {  	[tilespmem:v50+s14+$0x0] =	vst.idx.msk $0xffff, v49  }
0x6d: {  	v52 =	vadd.s32 v29, v48;
	v37 =	vld.idx.msk [tilespmem:v51+s11+$0x0], $0xffff  }
0x6e: {  	v53 =	vor.u32 v4, v46;
	_ =	sdelay $0x3  }
0x6f: {  	[tilespmem:v52+s14+$0x0] =	vst.idx.msk $0xffff, v37  }
0x70: {  	v54 =	vadd.s32 v30, v48;
	v37 =	vld.idx.msk [tilespmem:v53+s11+$0x0], $0xffff  }
0x71: {  	v39 =	vor.u32 v6, v46;
	_ =	sdelay $0x2  }
0x72: {  	s31 =	simm.s32 $0x7  }
0x73: {  	v55 =	vmov s31;
	[tilespmem:v54+s14+$0x0] =	vst.idx.msk $0xffff, v37  }
0x74: {  	v56 =	vshll.u32 v55, $0x6;
	v36 =	vadd.s32 v31, v48;
	v38 =	vld.idx.msk [tilespmem:v39+s11+$0x0], $0xffff  }
0x75: {  	v57 =	vor.u32 v0, v56;
	_ =	sdelay $0x3  }
0x76: {  	[tilespmem:v36+s14+$0x0] =	vst.idx.msk $0xffff, v38;
	v36 =	vand.u32 $0x78, v55  }
0x77: {  	v58 =	vld.idx.msk [tilespmem:v57+s11+$0x0], $0xffff;
	v59 =	vadd.s32 v32, v36  }
0x78: {  	v60 =	vor.u32 v2, v56;
	_ =	sdelay $0x3  }
0x79: {  	[tilespmem:v59+s14+$0x0] =	vst.idx.msk $0xffff, v58  }
0x7a: {  	v61 =	vadd.s32 v33, v36;
	v37 =	vld.idx.msk [tilespmem:v60+s11+$0x0], $0xffff  }
0x7b: {  	v62 =	vor.u32 v4, v56;
	_ =	sdelay $0x3  }
0x7c: {  	[tilespmem:v61+s14+$0x0] =	vst.idx.msk $0xffff, v37  }
0x7d: {  	v63 =	vadd.s32 v34, v36;
	v37 =	vld.idx.msk [tilespmem:v62+s11+$0x0], $0xffff  }
0x7e: {  	v39 =	vor.u32 v6, v56;
	_ =	sdelay $0x3  }
0x7f: {  	s22 =	simm.s32 $0x8;
	[tilespmem:v63+s14+$0x0] =	vst.idx.msk $0xffff, v37  }
0x80: {  	s23 =	simm.s32 $0x10;
	v38 =	vmov s22;
	v37 =	vld.idx.msk [tilespmem:v39+s11+$0x0], $0xffff  }
.LBB2_3:
0x81: {  	p0 =	slt.u32 s23, $0x78;
	v38 =	vshll.u32 v38, $0x6;
	v36 =	vadd.s32 v35, v36  }
0x82: {  	v39 =	vor.u32 v0, v38;
	_ =	sdelay $0x3  }
0x83: {  	[tilespmem:v36+s14+$0x0] =	vst.idx.msk $0xffff, v37  }
0x84: {  	v36 =	vld.idx.msk [tilespmem:v39+s11+$0x0], $0xffff  }
0x85: {  	v37 =	vadd.s32 s22, v1  }
0x86: {  	v39 =	vor.u32 v2, v38;
	_ =	sdelay $0x3  }
0x87: {  	[tilespmem:v37+s14+$0x0] =	vst.idx.msk $0xffff, v36  }
0x88: {  	v36 =	vld.idx.msk [tilespmem:v39+s11+$0x0], $0xffff  }
0x89: {  	v37 =	vadd.s32 s22, v3  }
0x8a: {  	v39 =	vor.u32 v4, v38;
	_ =	sdelay $0x3  }
0x8b: {  	[tilespmem:v37+s14+$0x0] =	vst.idx.msk $0xffff, v36  }
0x8c: {  	v36 =	vld.idx.msk [tilespmem:v39+s11+$0x0], $0xffff  }
0x8d: {  	v37 =	vadd.s32 s22, v5  }
0x8e: {  	v38 =	vor.u32 v6, v38;
	_ =	sdelay $0x3  }
0x8f: {  	s24 =	sadd.s32 $0x1, s22;
	[tilespmem:v37+s14+$0x0] =	vst.idx.msk $0xffff, v36  }
0x90: {  	v37 =	vmov s24;
	v36 =	vld.idx.msk [tilespmem:v38+s11+$0x0], $0xffff  }
0x91: {  	v38 =	vadd.s32 s22, v7;
	v39 =	vshll.u32 v37, $0x6  }
0x92: {  	v40 =	vor.u32 v0, v39;
	_ =	sdelay $0x3  }
0x93: {  	[tilespmem:v38+s14+$0x0] =	vst.idx.msk $0xffff, v36  }
0x94: {  	v37 =	vand.u32 $0x78, v37;
	v36 =	vld.idx.msk [tilespmem:v40+s11+$0x0], $0xffff  }
0x95: {  	v38 =	vadd.s32 v8, v37  }
0x96: {  	v40 =	vor.u32 v2, v39;
	_ =	sdelay $0x3  }
0x97: {  	[tilespmem:v38+s14+$0x0] =	vst.idx.msk $0xffff, v36  }
0x98: {  	v36 =	vld.idx.msk [tilespmem:v40+s11+$0x0], $0xffff  }
0x99: {  	v38 =	vadd.s32 v9, v37  }
0x9a: {  	v40 =	vor.u32 v4, v39;
	_ =	sdelay $0x3  }
0x9b: {  	[tilespmem:v38+s14+$0x0] =	vst.idx.msk $0xffff, v36  }
0x9c: {  	v36 =	vld.idx.msk [tilespmem:v40+s11+$0x0], $0xffff  }
0x9d: {  	v38 =	vadd.s32 v10, v37  }
0x9e: {  	v39 =	vor.u32 v6, v39;
	_ =	sdelay $0x3  }
0x9f: {  	s24 =	sadd.s32 $0x2, s22;
	[tilespmem:v38+s14+$0x0] =	vst.idx.msk $0xffff, v36  }
0xa0: {  	v38 =	vmov s24;
	v36 =	vld.idx.msk [tilespmem:v39+s11+$0x0], $0xffff  }
0xa1: {  	v37 =	vadd.s32 v11, v37;
	v39 =	vshll.u32 v38, $0x6  }
0xa2: {  	v40 =	vor.u32 v0, v39;
	_ =	sdelay $0x3  }
0xa3: {  	[tilespmem:v37+s14+$0x0] =	vst.idx.msk $0xffff, v36  }
0xa4: {  	v37 =	vand.u32 $0x78, v38;
	v36 =	vld.idx.msk [tilespmem:v40+s11+$0x0], $0xffff  }
0xa5: {  	v38 =	vadd.s32 v12, v37  }
0xa6: {  	v40 =	vor.u32 v2, v39;
	_ =	sdelay $0x3  }
0xa7: {  	[tilespmem:v38+s14+$0x0] =	vst.idx.msk $0xffff, v36  }
0xa8: {  	v36 =	vld.idx.msk [tilespmem:v40+s11+$0x0], $0xffff  }
0xa9: {  	v38 =	vadd.s32 v13, v37  }
0xaa: {  	v40 =	vor.u32 v4, v39;
	_ =	sdelay $0x3  }
0xab: {  	[tilespmem:v38+s14+$0x0] =	vst.idx.msk $0xffff, v36  }
0xac: {  	v36 =	vld.idx.msk [tilespmem:v40+s11+$0x0], $0xffff  }
0xad: {  	v38 =	vadd.s32 v14, v37  }
0xae: {  	v39 =	vor.u32 v6, v39;
	_ =	sdelay $0x3  }
0xaf: {  	s24 =	sadd.s32 $0x3, s22;
	[tilespmem:v38+s14+$0x0] =	vst.idx.msk $0xffff, v36  }
0xb0: {  	v38 =	vmov s24;
	v36 =	vld.idx.msk [tilespmem:v39+s11+$0x0], $0xffff  }
0xb1: {  	v37 =	vadd.s32 v15, v37;
	v39 =	vshll.u32 v38, $0x6  }
0xb2: {  	v40 =	vor.u32 v0, v39;
	_ =	sdelay $0x3  }
0xb3: {  	[tilespmem:v37+s14+$0x0] =	vst.idx.msk $0xffff, v36  }
0xb4: {  	v37 =	vand.u32 $0x78, v38;
	v36 =	vld.idx.msk [tilespmem:v40+s11+$0x0], $0xffff  }
0xb5: {  	v38 =	vadd.s32 v16, v37  }
0xb6: {  	v40 =	vor.u32 v2, v39;
	_ =	sdelay $0x3  }
0xb7: {  	[tilespmem:v38+s14+$0x0] =	vst.idx.msk $0xffff, v36  }
0xb8: {  	v36 =	vld.idx.msk [tilespmem:v40+s11+$0x0], $0xffff  }
0xb9: {  	v38 =	vadd.s32 v17, v37  }
0xba: {  	v40 =	vor.u32 v4, v39;
	_ =	sdelay $0x3  }
0xbb: {  	[tilespmem:v38+s14+$0x0] =	vst.idx.msk $0xffff, v36  }
0xbc: {  	v36 =	vld.idx.msk [tilespmem:v40+s11+$0x0], $0xffff  }
0xbd: {  	v38 =	vadd.s32 v18, v37  }
0xbe: {  	v39 =	vor.u32 v6, v39;
	_ =	sdelay $0x3  }
0xbf: {  	s24 =	sadd.s32 $0x4, s22;
	[tilespmem:v38+s14+$0x0] =	vst.idx.msk $0xffff, v36  }
0xc0: {  	v38 =	vmov s24;
	v36 =	vld.idx.msk [tilespmem:v39+s11+$0x0], $0xffff  }
0xc1: {  	v37 =	vadd.s32 v19, v37;
	v39 =	vshll.u32 v38, $0x6  }
0xc2: {  	v40 =	vor.u32 v0, v39;
	_ =	sdelay $0x3  }
0xc3: {  	[tilespmem:v37+s14+$0x0] =	vst.idx.msk $0xffff, v36  }
0xc4: {  	v37 =	vand.u32 $0x78, v38;
	v36 =	vld.idx.msk [tilespmem:v40+s11+$0x0], $0xffff  }
0xc5: {  	v38 =	vadd.s32 v20, v37  }
0xc6: {  	v40 =	vor.u32 v2, v39;
	_ =	sdelay $0x3  }
0xc7: {  	[tilespmem:v38+s14+$0x0] =	vst.idx.msk $0xffff, v36  }
0xc8: {  	v36 =	vld.idx.msk [tilespmem:v40+s11+$0x0], $0xffff  }
0xc9: {  	v38 =	vadd.s32 v21, v37  }
0xca: {  	v40 =	vor.u32 v4, v39;
	_ =	sdelay $0x3  }
0xcb: {  	[tilespmem:v38+s14+$0x0] =	vst.idx.msk $0xffff, v36  }
0xcc: {  	v36 =	vld.idx.msk [tilespmem:v40+s11+$0x0], $0xffff  }
0xcd: {  	v38 =	vadd.s32 v22, v37  }
0xce: {  	v39 =	vor.u32 v6, v39;
	_ =	sdelay $0x3  }
0xcf: {  	s24 =	sadd.s32 $0x5, s22;
	[tilespmem:v38+s14+$0x0] =	vst.idx.msk $0xffff, v36  }
0xd0: {  	v38 =	vmov s24;
	v36 =	vld.idx.msk [tilespmem:v39+s11+$0x0], $0xffff  }
0xd1: {  	v37 =	vadd.s32 v23, v37;
	v39 =	vshll.u32 v38, $0x6  }
0xd2: {  	v40 =	vor.u32 v0, v39;
	_ =	sdelay $0x3  }
0xd3: {  	[tilespmem:v37+s14+$0x0] =	vst.idx.msk $0xffff, v36  }
0xd4: {  	v37 =	vand.u32 $0x78, v38;
	v36 =	vld.idx.msk [tilespmem:v40+s11+$0x0], $0xffff  }
0xd5: {  	v38 =	vadd.s32 v24, v37  }
0xd6: {  	v40 =	vor.u32 v2, v39;
	_ =	sdelay $0x3  }
0xd7: {  	[tilespmem:v38+s14+$0x0] =	vst.idx.msk $0xffff, v36  }
0xd8: {  	v36 =	vld.idx.msk [tilespmem:v40+s11+$0x0], $0xffff  }
0xd9: {  	v38 =	vadd.s32 v25, v37  }
0xda: {  	v40 =	vor.u32 v4, v39;
	_ =	sdelay $0x3  }
0xdb: {  	[tilespmem:v38+s14+$0x0] =	vst.idx.msk $0xffff, v36  }
0xdc: {  	v36 =	vld.idx.msk [tilespmem:v40+s11+$0x0], $0xffff  }
0xdd: {  	v38 =	vadd.s32 v26, v37  }
0xde: {  	v39 =	vor.u32 v6, v39;
	_ =	sdelay $0x3  }
0xdf: {  	s24 =	sadd.s32 $0x6, s22;
	[tilespmem:v38+s14+$0x0] =	vst.idx.msk $0xffff, v36  }
0xe0: {  	v38 =	vmov s24;
	v36 =	vld.idx.msk [tilespmem:v39+s11+$0x0], $0xffff  }
0xe1: {  	v37 =	vadd.s32 v27, v37;
	v39 =	vshll.u32 v38, $0x6  }
0xe2: {  	v40 =	vor.u32 v0, v39;
	_ =	sdelay $0x3  }
0xe3: {  	[tilespmem:v37+s14+$0x0] =	vst.idx.msk $0xffff, v36  }
0xe4: {  	v37 =	vand.u32 $0x78, v38;
	v36 =	vld.idx.msk [tilespmem:v40+s11+$0x0], $0xffff  }
0xe5: {  	v38 =	vadd.s32 v28, v37  }
0xe6: {  	v40 =	vor.u32 v2, v39;
	_ =	sdelay $0x3  }
0xe7: {  	[tilespmem:v38+s14+$0x0] =	vst.idx.msk $0xffff, v36  }
0xe8: {  	v36 =	vld.idx.msk [tilespmem:v40+s11+$0x0], $0xffff  }
0xe9: {  	v38 =	vadd.s32 v29, v37  }
0xea: {  	v40 =	vor.u32 v4, v39;
	_ =	sdelay $0x3  }
0xeb: {  	[tilespmem:v38+s14+$0x0] =	vst.idx.msk $0xffff, v36  }
0xec: {  	v36 =	vld.idx.msk [tilespmem:v40+s11+$0x0], $0xffff  }
0xed: {  	v38 =	vadd.s32 v30, v37  }
0xee: {  	v39 =	vor.u32 v6, v39;
	_ =	sdelay $0x3  }
0xef: {  	s24 =	sadd.s32 $0x7, s22;
	s22 =	smov.u32 s23;
	[tilespmem:v38+s14+$0x0] =	vst.idx.msk $0xffff, v36  }
0xf0: {  	v38 =	vmov s24;
	v36 =	vld.idx.msk [tilespmem:v39+s11+$0x0], $0xffff  }
0xf1: {  	v37 =	vadd.s32 v31, v37;
	v39 =	vshll.u32 v38, $0x6  }
0xf2: {  	v40 =	vor.u32 v0, v39;
	_ =	sdelay $0x3  }
0xf3: {  	[tilespmem:v37+s14+$0x0] =	vst.idx.msk $0xffff, v36  }
0xf4: {  	v36 =	vand.u32 $0x78, v38;
	v37 =	vld.idx.msk [tilespmem:v40+s11+$0x0], $0xffff  }
0xf5: {  	v38 =	vadd.s32 v32, v36  }
0xf6: {  	v40 =	vor.u32 v2, v39;
	_ =	sdelay $0x3  }
0xf7: {  	[tilespmem:v38+s14+$0x0] =	vst.idx.msk $0xffff, v37  }
0xf8: {  	v37 =	vld.idx.msk [tilespmem:v40+s11+$0x0], $0xffff  }
0xf9: {  	v38 =	vadd.s32 v33, v36  }
0xfa: {  	v40 =	vor.u32 v4, v39;
	_ =	sdelay $0x3  }
0xfb: {  	[tilespmem:v38+s14+$0x0] =	vst.idx.msk $0xffff, v37  }
0xfc: {  	v37 =	vld.idx.msk [tilespmem:v40+s11+$0x0], $0xffff  }
0xfd: {  	v38 =	vadd.s32 v34, v36  }
0xfe: {  	v39 =	vor.u32 v6, v39  }
.Ltmp0:
0xff: {  	(pc) =	sbr.rel @p0 .LBB2_3-.Ltmp0, $3  }
0x100: {  	_ =	sdelay $0x1  }
0x101: {  	[tilespmem:v38+s14+$0x0] =	vst.idx.msk $0xffff, v37  }
0x102: {  	s23 =	sadd.s32 $0x8, s23;
	v38 =	vmov s22;
	v37 =	vld.idx.msk [tilespmem:v39+s11+$0x0], $0xffff  }
0x103: {  	v38 =	vshll.u32 v38, $0x6;
	v36 =	vadd.s32 v35, v36  }
0x104: {  	v39 =	vor.u32 v0, v38;
	_ =	sdelay $0x3  }
0x105: {  	[tilespmem:v36+s14+$0x0] =	vst.idx.msk $0xffff, v37  }
0x106: {  	v52 =	vadd.s32 s22, v1;
	v36 =	vld.idx.msk [tilespmem:v39+s11+$0x0], $0xffff  }
0x107: {  	v53 =	vor.u32 v2, v38;
	_ =	sdelay $0x3  }
0x108: {  	[tilespmem:v52+s14+$0x0] =	vst.idx.msk $0xffff, v36  }
0x109: {  	v54 =	vadd.s32 s22, v3;
	v36 =	vld.idx.msk [tilespmem:v53+s11+$0x0], $0xffff  }
0x10a: {  	v55 =	vor.u32 v4, v38;
	_ =	sdelay $0x3  }
0x10b: {  	[tilespmem:v54+s14+$0x0] =	vst.idx.msk $0xffff, v36  }
0x10c: {  	v56 =	vadd.s32 s22, v5;
	v36 =	vld.idx.msk [tilespmem:v55+s11+$0x0], $0xffff  }
0x10d: {  	v38 =	vor.u32 v6, v38;
	_ =	sdelay $0x2  }
0x10e: {  	s23 =	sadd.s32 $0x1, s22  }
0x10f: {  	v57 =	vmov s23;
	[tilespmem:v56+s14+$0x0] =	vst.idx.msk $0xffff, v36  }
0x110: {  	v58 =	vadd.s32 s22, v7;
	v59 =	vshll.u32 v57, $0x6;
	v37 =	vld.idx.msk [tilespmem:v38+s11+$0x0], $0xffff  }
0x111: {  	v40 =	vor.u32 v0, v59;
	_ =	sdelay $0x3  }
0x112: {  	v36 =	vand.u32 $0x78, v57;
	[tilespmem:v58+s14+$0x0] =	vst.idx.msk $0xffff, v37  }
0x113: {  	v60 =	vadd.s32 v8, v36;
	v37 =	vld.idx.msk [tilespmem:v40+s11+$0x0], $0xffff  }
0x114: {  	v61 =	vor.u32 v2, v59;
	_ =	sdelay $0x3  }
0x115: {  	[tilespmem:v60+s14+$0x0] =	vst.idx.msk $0xffff, v37  }
0x116: {  	v62 =	vadd.s32 v9, v36;
	v37 =	vld.idx.msk [tilespmem:v61+s11+$0x0], $0xffff  }
0x117: {  	v63 =	vor.u32 v4, v59;
	_ =	sdelay $0x3  }
0x118: {  	[tilespmem:v62+s14+$0x0] =	vst.idx.msk $0xffff, v37  }
0x119: {  	v44 =	vadd.s32 v10, v36;
	v37 =	vld.idx.msk [tilespmem:v63+s11+$0x0], $0xffff  }
0x11a: {  	v39 =	vor.u32 v6, v59;
	_ =	sdelay $0x2  }
0x11b: {  	s26 =	sadd.s32 $0x2, s22  }
0x11c: {  	v45 =	vmov s26;
	[tilespmem:v44+s14+$0x0] =	vst.idx.msk $0xffff, v37  }
0x11d: {  	v46 =	vshll.u32 v45, $0x6;
	v36 =	vadd.s32 v11, v36;
	v38 =	vld.idx.msk [tilespmem:v39+s11+$0x0], $0xffff  }
0x11e: {  	v47 =	vor.u32 v0, v46;
	_ =	sdelay $0x3  }
0x11f: {  	v48 =	vand.u32 $0x78, v45;
	[tilespmem:v36+s14+$0x0] =	vst.idx.msk $0xffff, v38  }
0x120: {  	v50 =	vadd.s32 v12, v48;
	v49 =	vld.idx.msk [tilespmem:v47+s11+$0x0], $0xffff  }
0x121: {  	v51 =	vor.u32 v2, v46;
	_ =	sdelay $0x3  }
0x122: {  	[tilespmem:v50+s14+$0x0] =	vst.idx.msk $0xffff, v49  }
0x123: {  	v52 =	vadd.s32 v13, v48;
	v37 =	vld.idx.msk [tilespmem:v51+s11+$0x0], $0xffff  }
0x124: {  	v53 =	vor.u32 v4, v46;
	_ =	sdelay $0x3  }
0x125: {  	[tilespmem:v52+s14+$0x0] =	vst.idx.msk $0xffff, v37  }
0x126: {  	v54 =	vadd.s32 v14, v48;
	v37 =	vld.idx.msk [tilespmem:v53+s11+$0x0], $0xffff  }
0x127: {  	v39 =	vor.u32 v6, v46;
	_ =	sdelay $0x2  }
0x128: {  	s28 =	sadd.s32 $0x3, s22  }
0x129: {  	v55 =	vmov s28;
	[tilespmem:v54+s14+$0x0] =	vst.idx.msk $0xffff, v37  }
0x12a: {  	v56 =	vshll.u32 v55, $0x6;
	v36 =	vadd.s32 v15, v48;
	v38 =	vld.idx.msk [tilespmem:v39+s11+$0x0], $0xffff  }
0x12b: {  	v57 =	vor.u32 v0, v56;
	_ =	sdelay $0x3  }
0x12c: {  	v58 =	vand.u32 $0x78, v55;
	[tilespmem:v36+s14+$0x0] =	vst.idx.msk $0xffff, v38  }
0x12d: {  	v60 =	vadd.s32 v16, v58;
	v59 =	vld.idx.msk [tilespmem:v57+s11+$0x0], $0xffff  }
0x12e: {  	v61 =	vor.u32 v2, v56;
	_ =	sdelay $0x3  }
0x12f: {  	[tilespmem:v60+s14+$0x0] =	vst.idx.msk $0xffff, v59  }
0x130: {  	v62 =	vadd.s32 v17, v58;
	v37 =	vld.idx.msk [tilespmem:v61+s11+$0x0], $0xffff  }
0x131: {  	v63 =	vor.u32 v4, v56;
	_ =	sdelay $0x3  }
0x132: {  	[tilespmem:v62+s14+$0x0] =	vst.idx.msk $0xffff, v37  }
0x133: {  	v44 =	vadd.s32 v18, v58;
	v37 =	vld.idx.msk [tilespmem:v63+s11+$0x0], $0xffff  }
0x134: {  	v39 =	vor.u32 v6, v56;
	_ =	sdelay $0x2  }
0x135: {  	s29 =	sadd.s32 $0x4, s22  }
0x136: {  	v45 =	vmov s29;
	[tilespmem:v44+s14+$0x0] =	vst.idx.msk $0xffff, v37  }
0x137: {  	v46 =	vshll.u32 v45, $0x6;
	v36 =	vadd.s32 v19, v58;
	v38 =	vld.idx.msk [tilespmem:v39+s11+$0x0], $0xffff  }
0x138: {  	v47 =	vor.u32 v0, v46;
	_ =	sdelay $0x3  }
0x139: {  	v48 =	vand.u32 $0x78, v45;
	[tilespmem:v36+s14+$0x0] =	vst.idx.msk $0xffff, v38  }
0x13a: {  	v50 =	vadd.s32 v20, v48;
	v49 =	vld.idx.msk [tilespmem:v47+s11+$0x0], $0xffff  }
0x13b: {  	v51 =	vor.u32 v2, v46;
	_ =	sdelay $0x3  }
0x13c: {  	[tilespmem:v50+s14+$0x0] =	vst.idx.msk $0xffff, v49  }
0x13d: {  	v52 =	vadd.s32 v21, v48;
	v37 =	vld.idx.msk [tilespmem:v51+s11+$0x0], $0xffff  }
0x13e: {  	v53 =	vor.u32 v4, v46;
	_ =	sdelay $0x3  }
0x13f: {  	[tilespmem:v52+s14+$0x0] =	vst.idx.msk $0xffff, v37  }
0x140: {  	v54 =	vadd.s32 v22, v48;
	v37 =	vld.idx.msk [tilespmem:v53+s11+$0x0], $0xffff  }
0x141: {  	v39 =	vor.u32 v6, v46;
	_ =	sdelay $0x2  }
0x142: {  	s30 =	sadd.s32 $0x5, s22  }
0x143: {  	v55 =	vmov s30;
	[tilespmem:v54+s14+$0x0] =	vst.idx.msk $0xffff, v37  }
0x144: {  	v56 =	vshll.u32 v55, $0x6;
	v36 =	vadd.s32 v23, v48;
	v38 =	vld.idx.msk [tilespmem:v39+s11+$0x0], $0xffff  }
0x145: {  	v57 =	vor.u32 v0, v56;
	_ =	sdelay $0x3  }
0x146: {  	v58 =	vand.u32 $0x78, v55;
	[tilespmem:v36+s14+$0x0] =	vst.idx.msk $0xffff, v38  }
0x147: {  	v60 =	vadd.s32 v24, v58;
	v59 =	vld.idx.msk [tilespmem:v57+s11+$0x0], $0xffff  }
0x148: {  	v61 =	vor.u32 v2, v56;
	_ =	sdelay $0x3  }
0x149: {  	[tilespmem:v60+s14+$0x0] =	vst.idx.msk $0xffff, v59  }
0x14a: {  	v62 =	vadd.s32 v25, v58;
	v37 =	vld.idx.msk [tilespmem:v61+s11+$0x0], $0xffff  }
0x14b: {  	v63 =	vor.u32 v4, v56;
	_ =	sdelay $0x3  }
0x14c: {  	[tilespmem:v62+s14+$0x0] =	vst.idx.msk $0xffff, v37  }
0x14d: {  	v43 =	vadd.s32 v26, v58;
	v37 =	vld.idx.msk [tilespmem:v63+s11+$0x0], $0xffff  }
0x14e: {  	v39 =	vor.u32 v6, v56;
	_ =	sdelay $0x2  }
0x14f: {  	s31 =	sadd.s32 $0x6, s22  }
0x150: {  	v44 =	vmov s31;
	[tilespmem:v43+s14+$0x0] =	vst.idx.msk $0xffff, v37  }
0x151: {  	v45 =	vshll.u32 v44, $0x6;
	v36 =	vadd.s32 v27, v58;
	v38 =	vld.idx.msk [tilespmem:v39+s11+$0x0], $0xffff  }
0x152: {  	v46 =	vor.u32 v0, v45;
	_ =	sdelay $0x3  }
0x153: {  	v47 =	vand.u32 $0x78, v44;
	[tilespmem:v36+s14+$0x0] =	vst.idx.msk $0xffff, v38  }
0x154: {  	v49 =	vadd.s32 v28, v47;
	v48 =	vld.idx.msk [tilespmem:v46+s11+$0x0], $0xffff  }
0x155: {  	v50 =	vor.u32 v2, v45;
	_ =	sdelay $0x3  }
0x156: {  	[tilespmem:v49+s14+$0x0] =	vst.idx.msk $0xffff, v48  }
0x157: {  	v51 =	vadd.s32 v29, v47;
	v37 =	vld.idx.msk [tilespmem:v50+s11+$0x0], $0xffff  }
0x158: {  	v52 =	vor.u32 v4, v45;
	_ =	sdelay $0x3  }
0x159: {  	[tilespmem:v51+s14+$0x0] =	vst.idx.msk $0xffff, v37  }
0x15a: {  	v53 =	vadd.s32 v30, v47;
	v37 =	vld.idx.msk [tilespmem:v52+s11+$0x0], $0xffff  }
0x15b: {  	v39 =	vor.u32 v6, v45;
	_ =	sdelay $0x2  }
0x15c: {  	s23 =	sadd.s32 $0x7, s22  }
0x15d: {  	v54 =	vmov s23;
	[tilespmem:v53+s14+$0x0] =	vst.idx.msk $0xffff, v37  }
0x15e: {  	v55 =	vshll.u32 v54, $0x6;
	v36 =	vadd.s32 v31, v47;
	v38 =	vld.idx.msk [tilespmem:v39+s11+$0x0], $0xffff  }
0x15f: {  	v56 =	vor.u32 v0, v55;
	_ =	sdelay $0x3  }
0x160: {  	v57 =	vand.u32 $0x78, v54;
	[tilespmem:v36+s14+$0x0] =	vst.idx.msk $0xffff, v38  }
0x161: {  	v59 =	vadd.s32 v32, v57;
	v58 =	vld.idx.msk [tilespmem:v56+s11+$0x0], $0xffff  }
0x162: {  	v60 =	vor.u32 v2, v55;
	_ =	sdelay $0x3  }
0x163: {  	[tilespmem:v59+s14+$0x0] =	vst.idx.msk $0xffff, v58  }
0x164: {  	v61 =	vadd.s32 v33, v57;
	v37 =	vld.idx.msk [tilespmem:v60+s11+$0x0], $0xffff  }
0x165: {  	v62 =	vor.u32 v4, v55;
	_ =	sdelay $0x3  }
0x166: {  	[tilespmem:v61+s14+$0x0] =	vst.idx.msk $0xffff, v37  }
0x167: {  	v63 =	vadd.s32 v34, v57;
	v37 =	vld.idx.msk [tilespmem:v62+s11+$0x0], $0xffff  }
0x168: {  	v39 =	vor.u32 v6, v55;
	_ =	sdelay $0x3  }
0x169: {  	[tilespmem:v63+s14+$0x0] =	vst.idx.msk $0xffff, v37  }
0x16a: {  	v36 =	vadd.s32 v35, v57;
	v37 =	vld.idx.msk [tilespmem:v39+s11+$0x0], $0xffff;
	_ =	sdelay $0x1  }
0x16b: {  	s24 =	sshll.u32 s20, $0x13  }
0x16c: {  	s22 =	sor.u32 s6, s24  }
0x16d: {  	s22 =	sshrl.u32 s22, $0x3  }
0x16e: {  	s25 =	simm.s32 $0xA400;
	s23 =	sadd.s32 s1, s22;
	[tilespmem:v36+s14+$0x0] =	vst.idx.msk $0xffff, v37  }
0x16f: {  	[hbm4b:s23+s3] =	stream.linear.scatter [tilespmem:s25], [sflag:$0x3], $0x80, $0x38;
	[tilespmem:$0xE800] =	vst v63  }
0x170: {  	s26 =	simm.s32 $0xA488;
	s24 =	sadd.s32 $0x10, s23  }
0x171: {  	[hbm4b:s24+s3] =	stream.linear.scatter [tilespmem:s26], [sflag:$0x3], $0x80, $0x38;
	[tilespmem:$0xE800] =	vst v63  }
0x172: {  	s28 =	simm.s32 $0xA510;
	s30 =	simm.s32 $0xA598;
	s29 =	sadd.s32 $0x20, s23  }
0x173: {  	[hbm4b:s29+s3] =	stream.linear.scatter [tilespmem:s28], [sflag:$0x3], $0x80, $0x38;
	[tilespmem:$0xE800] =	vst v63  }
0x174: {  	s22 =	simm.s32 $0x440;
	s31 =	sadd.s32 $0x30, s23;
	s25 =	simm.s32 $0xA620  }
0x175: {  	[hbm4b:s31+s3] =	stream.linear.scatter [tilespmem:s30], [sflag:$0x3], $0x80, $0x38;
	[tilespmem:$0xE800] =	vst v63  }
0x176: {  	s26 =	sadd.s32 $0x40, s23;
	s24 =	simm.s32 $0x2200;
	s28 =	simm.s32 $0xA6A8  }
0x177: {  	[hbm4b:s26+s3] =	stream.linear.scatter [tilespmem:s25], [sflag:$0x3], $0x80, $0x38;
	[tilespmem:$0xE800] =	vst v63  }
0x178: {  	s29 =	sadd.s32 $0x50, s23;
	s30 =	simm.s32 $0xA730;
	s31 =	sadd.s32 $0x60, s23  }
0x179: {  	[hbm4b:s29+s3] =	stream.linear.scatter [tilespmem:s28], [sflag:$0x3], $0x80, $0x38;
	[tilespmem:$0xE800] =	vst v63  }
0x17a: {  	s25 =	simm.s32 $0xA7B8;
	s26 =	sadd.s32 $0x70, s23;
	s23 =	sadd.s32 $0x1000, s23  }
0x17b: {  	[hbm4b:s31+s3] =	stream.linear.scatter [tilespmem:s30], [sflag:$0x3], $0x80, $0x38;
	[tilespmem:$0xE800] =	vst v63  }
.LBB2_5:
0x17c: {  	[hbm4b:s26+s3] =	stream.linear.scatter [tilespmem:s25], [sflag:$0x3], $0x80, $0x38;
	[tilespmem:$0xE800] =	vst v63  }
0x17d: {  	s25 =	smov.u32 s22;
	s22 =	smov.u32 s24  }
0x17e: {  	s28 =	sadd.s32 $0x1100, s24;
	s22 =	sshra.s32 s22, $0x2;
	s26 =	sadd.s32 $0xA400, s25  }
0x17f: {  	[hbm4b:s23+s3] =	stream.linear.scatter [tilespmem:s26], [sflag:$0x3], $0x80, $0x38;
	[tilespmem:$0xE800] =	vst v63  }
0x180: {  	p0 =	sne.s32 s24, $0x7700;
	s24 =	sadd.s32 $0xA488, s25;
	s26 =	sadd.s32 $0x10, s23  }
0x181: {  	[hbm4b:s26+s3] =	stream.linear.scatter [tilespmem:s24], [sflag:$0x3], $0x80, $0x38;
	[tilespmem:$0xE800] =	vst v63  }
0x182: {  	s24 =	sadd.s32 $0xA510, s25;
	s26 =	sadd.s32 $0x20, s23  }
0x183: {  	[hbm4b:s26+s3] =	stream.linear.scatter [tilespmem:s24], [sflag:$0x3], $0x80, $0x38;
	[tilespmem:$0xE800] =	vst v63  }
0x184: {  	s24 =	sadd.s32 $0xA598, s25;
	s26 =	sadd.s32 $0x30, s23  }
0x185: {  	[hbm4b:s26+s3] =	stream.linear.scatter [tilespmem:s24], [sflag:$0x3], $0x80, $0x38;
	[tilespmem:$0xE800] =	vst v63  }
0x186: {  	s24 =	sadd.s32 $0xA620, s25;
	s26 =	sadd.s32 $0x40, s23  }
0x187: {  	[hbm4b:s26+s3] =	stream.linear.scatter [tilespmem:s24], [sflag:$0x3], $0x80, $0x38;
	[tilespmem:$0xE800] =	vst v63  }
.Ltmp1:
0x188: {  	s24 =	sadd.s32 $0xA6A8, s25;
	s26 =	sadd.s32 $0x50, s23;
	(pc) =	sbr.rel @p0 .LBB2_5-.Ltmp1, $4  }
0x189: {  	[hbm4b:s26+s3] =	stream.linear.scatter [tilespmem:s24], [sflag:$0x3], $0x80, $0x38;
	[tilespmem:$0xE800] =	vst v63  }
0x18a: {  	s24 =	sadd.s32 $0xA730, s25;
	s26 =	sadd.s32 $0x60, s23;
	s25 =	sadd.s32 $0xA7B8, s25  }
0x18b: {  	[hbm4b:s26+s3] =	stream.linear.scatter [tilespmem:s24], [sflag:$0x3], $0x80, $0x38;
	[tilespmem:$0xE800] =	vst v63  }
0x18c: {  	s26 =	sadd.s32 $0x70, s23;
	s23 =	sadd.s32 $0x1000, s23;
	s24 =	smov.u32 s28  }
0x18d: {  	[hbm4b:s26+s3] =	stream.linear.scatter [tilespmem:s25], [sflag:$0x3], $0x80, $0x38;
	[tilespmem:$0xE800] =	vst v63  }
0x18e: {  	s24 =	sadd.s32 $0xA400, s22  }
0x18f: {  	[hbm4b:s23+s3] =	stream.linear.scatter [tilespmem:s24], [sflag:$0x3], $0x80, $0x38;
	[tilespmem:$0xE800] =	vst v63  }
0x190: {  	s28 =	sadd.s32 $0xA488, s22;
	s29 =	sadd.s32 $0x10, s23  }
0x191: {  	[hbm4b:s29+s3] =	stream.linear.scatter [tilespmem:s28], [sflag:$0x3], $0x80, $0x38;
	[tilespmem:$0xE800] =	vst v63  }
0x192: {  	s30 =	sadd.s32 $0xA510, s22;
	s31 =	sadd.s32 $0x20, s23  }
0x193: {  	[hbm4b:s31+s3] =	stream.linear.scatter [tilespmem:s30], [sflag:$0x3], $0x80, $0x38;
	[tilespmem:$0xE800] =	vst v63  }
0x194: {  	s25 =	sadd.s32 $0xA598, s22;
	s26 =	sadd.s32 $0x30, s23  }
0x195: {  	[hbm4b:s26+s3] =	stream.linear.scatter [tilespmem:s25], [sflag:$0x3], $0x80, $0x38;
	[tilespmem:$0xE800] =	vst v63  }
0x196: {  	s28 =	sadd.s32 $0xA620, s22;
	s29 =	sadd.s32 $0x40, s23  }
0x197: {  	[hbm4b:s29+s3] =	stream.linear.scatter [tilespmem:s28], [sflag:$0x3], $0x80, $0x38;
	[tilespmem:$0xE800] =	vst v63  }
0x198: {  	s30 =	sadd.s32 $0xA6A8, s22;
	s31 =	sadd.s32 $0x50, s23  }
0x199: {  	[hbm4b:s31+s3] =	stream.linear.scatter [tilespmem:s30], [sflag:$0x3], $0x80, $0x38;
	[tilespmem:$0xE800] =	vst v63  }
0x19a: {  	p0 =	seq.s32 s20, $0x63;
	s26 =	sadd.s32 $0xA730, s22;
	s28 =	sadd.s32 $0x60, s23  }
0x19b: {  	[hbm4b:s28+s3] =	stream.linear.scatter [tilespmem:s26], [sflag:$0x3], $0x80, $0x38;
	[tilespmem:$0xE800] =	vst v63  }
0x19c: {  	p1 =	seq.s32 @!p0 s20, $0x0;
	s29 =	sadd.s32 $0xA7B8, s22;
	s30 =	sadd.s32 $0x70, s23  }
0x19d: {  	[hbm4b:s30+s3] =	stream.linear.scatter [tilespmem:s29], [sflag:$0x3], $0x80, $0x38;
	[tilespmem:$0xE800] =	vst v63  }
0x19e: {  	s22 =	sshll.u32 @!p0 s20, $0x8;
	s31 =	simm.s32 $0x0;
	_ =	swait.ge [sflag:s15], $0x2000  }
0x19f: {  	s24 =	simm.s32 @!p0 $0x6400;
	s22 =	sand.u32 @!p0 $0x3FFFFF00, s22;
	v36 =	vmov s31;
	[sflag:s15] =	ssyncset.done $0x0  }
0x1a0: {  	s22 =	sadd.s32 @!p0 $0x100, s22;
	s23 =	simm.s32 @!p0 $0x80;
	v36 =	vshll.u32 v36, $0x6;
	[sflag:s15] =	ssyncadd.s32 $0xFFFFE000  }
0x1a1: {  	v37 =	vor.u32 v0, v36;
	[tilespmem:s24], [sflag:$0x1] =	stream.indirect.gather @!p0 [hbm4b:s4+s23], $0x40, s22, s23, $0xb8;
	[tilespmem:$0xE800] =	vst v63  }
0x1a2: {  	p0 =	por p0, !p1  }
0x1a3: {  	_ =	swait.ge @p0 [sflag:s18], $0x2000  }
0x1a4: {  	[sflag:s18] =	ssyncset.done @p0 $0x0  }
0x1a5: {  	[sflag:s18] =	ssyncadd.s32 @p0 $0xFFFFE000  }
0x1a6: {  	v38 =	vadd.s32 s31, v1;
	v37 =	vld.idx.msk [tilespmem:v37+s13+$0x0], $0xffff  }
0x1a7: {  	v39 =	vor.u32 v2, v36;
	_ =	sdelay $0x3  }
0x1a8: {  	[tilespmem:v38+s16+$0x0] =	vst.idx.msk $0xffff, v37  }
0x1a9: {  	v52 =	vadd.s32 s31, v3;
	v37 =	vld.idx.msk [tilespmem:v39+s13+$0x0], $0xffff  }
0x1aa: {  	v53 =	vor.u32 v4, v36;
	_ =	sdelay $0x3  }
0x1ab: {  	[tilespmem:v52+s16+$0x0] =	vst.idx.msk $0xffff, v37  }
0x1ac: {  	v54 =	vadd.s32 s31, v5;
	v37 =	vld.idx.msk [tilespmem:v53+s13+$0x0], $0xffff  }
0x1ad: {  	v36 =	vor.u32 v6, v36;
	_ =	sdelay $0x2  }
0x1ae: {  	s24 =	simm.s32 $0x1  }
0x1af: {  	v55 =	vmov s24;
	[tilespmem:v54+s16+$0x0] =	vst.idx.msk $0xffff, v37  }
0x1b0: {  	v56 =	vadd.s32 s31, v7;
	v57 =	vshll.u32 v55, $0x6;
	v36 =	vld.idx.msk [tilespmem:v36+s13+$0x0], $0xffff  }
0x1b1: {  	v40 =	vor.u32 v0, v57;
	_ =	sdelay $0x3  }
0x1b2: {  	v58 =	vand.u32 $0x78, v55;
	[tilespmem:v56+s16+$0x0] =	vst.idx.msk $0xffff, v36  }
0x1b3: {  	v60 =	vadd.s32 v8, v58;
	v59 =	vld.idx.msk [tilespmem:v40+s13+$0x0], $0xffff  }
0x1b4: {  	v61 =	vor.u32 v2, v57;
	_ =	sdelay $0x3  }
0x1b5: {  	[tilespmem:v60+s16+$0x0] =	vst.idx.msk $0xffff, v59  }
0x1b6: {  	v62 =	vadd.s32 v9, v58;
	v37 =	vld.idx.msk [tilespmem:v61+s13+$0x0], $0xffff  }
0x1b7: {  	v63 =	vor.u32 v4, v57;
	_ =	sdelay $0x3  }
0x1b8: {  	[tilespmem:v62+s16+$0x0] =	vst.idx.msk $0xffff, v37  }
0x1b9: {  	v44 =	vadd.s32 v10, v58;
	v37 =	vld.idx.msk [tilespmem:v63+s13+$0x0], $0xffff  }
0x1ba: {  	v39 =	vor.u32 v6, v57;
	_ =	sdelay $0x2  }
0x1bb: {  	s25 =	simm.s32 $0x2  }
0x1bc: {  	v45 =	vmov s25;
	[tilespmem:v44+s16+$0x0] =	vst.idx.msk $0xffff, v37  }
0x1bd: {  	v46 =	vshll.u32 v45, $0x6;
	v36 =	vadd.s32 v11, v58;
	v38 =	vld.idx.msk [tilespmem:v39+s13+$0x0], $0xffff  }
0x1be: {  	v47 =	vor.u32 v0, v46;
	_ =	sdelay $0x3  }
0x1bf: {  	v48 =	vand.u32 $0x78, v45;
	[tilespmem:v36+s16+$0x0] =	vst.idx.msk $0xffff, v38  }
0x1c0: {  	v50 =	vadd.s32 v12, v48;
	v49 =	vld.idx.msk [tilespmem:v47+s13+$0x0], $0xffff  }
0x1c1: {  	v51 =	vor.u32 v2, v46;
	_ =	sdelay $0x3  }
0x1c2: {  	[tilespmem:v50+s16+$0x0] =	vst.idx.msk $0xffff, v49  }
0x1c3: {  	v52 =	vadd.s32 v13, v48;
	v37 =	vld.idx.msk [tilespmem:v51+s13+$0x0], $0xffff  }
0x1c4: {  	v53 =	vor.u32 v4, v46;
	_ =	sdelay $0x3  }
0x1c5: {  	[tilespmem:v52+s16+$0x0] =	vst.idx.msk $0xffff, v37  }
0x1c6: {  	v54 =	vadd.s32 v14, v48;
	v37 =	vld.idx.msk [tilespmem:v53+s13+$0x0], $0xffff  }
0x1c7: {  	v39 =	vor.u32 v6, v46;
	_ =	sdelay $0x2  }
0x1c8: {  	s26 =	simm.s32 $0x3  }
0x1c9: {  	v55 =	vmov s26;
	[tilespmem:v54+s16+$0x0] =	vst.idx.msk $0xffff, v37  }
0x1ca: {  	v56 =	vshll.u32 v55, $0x6;
	v36 =	vadd.s32 v15, v48;
	v38 =	vld.idx.msk [tilespmem:v39+s13+$0x0], $0xffff  }
0x1cb: {  	v57 =	vor.u32 v0, v56;
	_ =	sdelay $0x3  }
0x1cc: {  	v58 =	vand.u32 $0x78, v55;
	[tilespmem:v36+s16+$0x0] =	vst.idx.msk $0xffff, v38  }
0x1cd: {  	v60 =	vadd.s32 v16, v58;
	v59 =	vld.idx.msk [tilespmem:v57+s13+$0x0], $0xffff  }
0x1ce: {  	v61 =	vor.u32 v2, v56;
	_ =	sdelay $0x3  }
0x1cf: {  	[tilespmem:v60+s16+$0x0] =	vst.idx.msk $0xffff, v59  }
0x1d0: {  	v62 =	vadd.s32 v17, v58;
	v37 =	vld.idx.msk [tilespmem:v61+s13+$0x0], $0xffff  }
0x1d1: {  	v63 =	vor.u32 v4, v56;
	_ =	sdelay $0x3  }
0x1d2: {  	[tilespmem:v62+s16+$0x0] =	vst.idx.msk $0xffff, v37  }
0x1d3: {  	v44 =	vadd.s32 v18, v58;
	v37 =	vld.idx.msk [tilespmem:v63+s13+$0x0], $0xffff  }
0x1d4: {  	v39 =	vor.u32 v6, v56;
	_ =	sdelay $0x2  }
0x1d5: {  	s28 =	simm.s32 $0x4  }
0x1d6: {  	v45 =	vmov s28;
	[tilespmem:v44+s16+$0x0] =	vst.idx.msk $0xffff, v37  }
0x1d7: {  	v46 =	vshll.u32 v45, $0x6;
	v36 =	vadd.s32 v19, v58;
	v38 =	vld.idx.msk [tilespmem:v39+s13+$0x0], $0xffff  }
0x1d8: {  	v47 =	vor.u32 v0, v46;
	_ =	sdelay $0x3  }
0x1d9: {  	v48 =	vand.u32 $0x78, v45;
	[tilespmem:v36+s16+$0x0] =	vst.idx.msk $0xffff, v38  }
0x1da: {  	v50 =	vadd.s32 v20, v48;
	v49 =	vld.idx.msk [tilespmem:v47+s13+$0x0], $0xffff  }
0x1db: {  	v51 =	vor.u32 v2, v46;
	_ =	sdelay $0x3  }
0x1dc: {  	[tilespmem:v50+s16+$0x0] =	vst.idx.msk $0xffff, v49  }
0x1dd: {  	v52 =	vadd.s32 v21, v48;
	v37 =	vld.idx.msk [tilespmem:v51+s13+$0x0], $0xffff  }
0x1de: {  	v53 =	vor.u32 v4, v46;
	_ =	sdelay $0x3  }
0x1df: {  	[tilespmem:v52+s16+$0x0] =	vst.idx.msk $0xffff, v37  }
0x1e0: {  	v54 =	vadd.s32 v22, v48;
	v37 =	vld.idx.msk [tilespmem:v53+s13+$0x0], $0xffff  }
0x1e1: {  	v39 =	vor.u32 v6, v46;
	_ =	sdelay $0x2  }
0x1e2: {  	s29 =	simm.s32 $0x5  }
0x1e3: {  	v55 =	vmov s29;
	[tilespmem:v54+s16+$0x0] =	vst.idx.msk $0xffff, v37  }
0x1e4: {  	v56 =	vshll.u32 v55, $0x6;
	v36 =	vadd.s32 v23, v48;
	v38 =	vld.idx.msk [tilespmem:v39+s13+$0x0], $0xffff  }
0x1e5: {  	v57 =	vor.u32 v0, v56;
	_ =	sdelay $0x3  }
0x1e6: {  	v58 =	vand.u32 $0x78, v55;
	[tilespmem:v36+s16+$0x0] =	vst.idx.msk $0xffff, v38  }
0x1e7: {  	v60 =	vadd.s32 v24, v58;
	v59 =	vld.idx.msk [tilespmem:v57+s13+$0x0], $0xffff  }
0x1e8: {  	v61 =	vor.u32 v2, v56;
	_ =	sdelay $0x3  }
0x1e9: {  	[tilespmem:v60+s16+$0x0] =	vst.idx.msk $0xffff, v59  }
0x1ea: {  	v62 =	vadd.s32 v25, v58;
	v37 =	vld.idx.msk [tilespmem:v61+s13+$0x0], $0xffff  }
0x1eb: {  	v63 =	vor.u32 v4, v56;
	_ =	sdelay $0x3  }
0x1ec: {  	[tilespmem:v62+s16+$0x0] =	vst.idx.msk $0xffff, v37  }
0x1ed: {  	v44 =	vadd.s32 v26, v58;
	v37 =	vld.idx.msk [tilespmem:v63+s13+$0x0], $0xffff  }
0x1ee: {  	v39 =	vor.u32 v6, v56;
	_ =	sdelay $0x2  }
0x1ef: {  	s30 =	simm.s32 $0x6  }
0x1f0: {  	v45 =	vmov s30;
	[tilespmem:v44+s16+$0x0] =	vst.idx.msk $0xffff, v37  }
0x1f1: {  	v46 =	vshll.u32 v45, $0x6;
	v36 =	vadd.s32 v27, v58;
	v38 =	vld.idx.msk [tilespmem:v39+s13+$0x0], $0xffff  }
0x1f2: {  	v47 =	vor.u32 v0, v46;
	_ =	sdelay $0x3  }
0x1f3: {  	v48 =	vand.u32 $0x78, v45;
	[tilespmem:v36+s16+$0x0] =	vst.idx.msk $0xffff, v38  }
0x1f4: {  	v50 =	vadd.s32 v28, v48;
	v49 =	vld.idx.msk [tilespmem:v47+s13+$0x0], $0xffff  }
0x1f5: {  	v51 =	vor.u32 v2, v46;
	_ =	sdelay $0x3  }
0x1f6: {  	[tilespmem:v50+s16+$0x0] =	vst.idx.msk $0xffff, v49  }
0x1f7: {  	v52 =	vadd.s32 v29, v48;
	v37 =	vld.idx.msk [tilespmem:v51+s13+$0x0], $0xffff  }
0x1f8: {  	v53 =	vor.u32 v4, v46;
	_ =	sdelay $0x3  }
0x1f9: {  	[tilespmem:v52+s16+$0x0] =	vst.idx.msk $0xffff, v37  }
0x1fa: {  	v54 =	vadd.s32 v30, v48;
	v37 =	vld.idx.msk [tilespmem:v53+s13+$0x0], $0xffff  }
0x1fb: {  	v39 =	vor.u32 v6, v46;
	_ =	sdelay $0x2  }
0x1fc: {  	s31 =	simm.s32 $0x7  }
0x1fd: {  	v55 =	vmov s31;
	[tilespmem:v54+s16+$0x0] =	vst.idx.msk $0xffff, v37  }
0x1fe: {  	v56 =	vshll.u32 v55, $0x6;
	v36 =	vadd.s32 v31, v48;
	v38 =	vld.idx.msk [tilespmem:v39+s13+$0x0], $0xffff  }
0x1ff: {  	v57 =	vor.u32 v0, v56;
	_ =	sdelay $0x3  }
0x200: {  	[tilespmem:v36+s16+$0x0] =	vst.idx.msk $0xffff, v38;
	v36 =	vand.u32 $0x78, v55  }
0x201: {  	v58 =	vld.idx.msk [tilespmem:v57+s13+$0x0], $0xffff;
	v59 =	vadd.s32 v32, v36  }
0x202: {  	v60 =	vor.u32 v2, v56;
	_ =	sdelay $0x3  }
0x203: {  	[tilespmem:v59+s16+$0x0] =	vst.idx.msk $0xffff, v58  }
0x204: {  	v61 =	vadd.s32 v33, v36;
	v37 =	vld.idx.msk [tilespmem:v60+s13+$0x0], $0xffff  }
0x205: {  	v62 =	vor.u32 v4, v56;
	_ =	sdelay $0x3  }
0x206: {  	[tilespmem:v61+s16+$0x0] =	vst.idx.msk $0xffff, v37  }
0x207: {  	v63 =	vadd.s32 v34, v36;
	v37 =	vld.idx.msk [tilespmem:v62+s13+$0x0], $0xffff  }
0x208: {  	v39 =	vor.u32 v6, v56;
	_ =	sdelay $0x3  }
0x209: {  	s22 =	simm.s32 $0x8;
	[tilespmem:v63+s16+$0x0] =	vst.idx.msk $0xffff, v37  }
0x20a: {  	s23 =	simm.s32 $0x10;
	v38 =	vmov s22;
	v37 =	vld.idx.msk [tilespmem:v39+s13+$0x0], $0xffff  }
.LBB2_7:
0x20b: {  	p0 =	slt.u32 s23, $0x78;
	v38 =	vshll.u32 v38, $0x6;
	v36 =	vadd.s32 v35, v36  }
0x20c: {  	v39 =	vor.u32 v0, v38;
	_ =	sdelay $0x3  }
0x20d: {  	[tilespmem:v36+s16+$0x0] =	vst.idx.msk $0xffff, v37  }
0x20e: {  	v36 =	vld.idx.msk [tilespmem:v39+s13+$0x0], $0xffff  }
0x20f: {  	v37 =	vadd.s32 s22, v1  }
0x210: {  	v39 =	vor.u32 v2, v38;
	_ =	sdelay $0x3  }
0x211: {  	[tilespmem:v37+s16+$0x0] =	vst.idx.msk $0xffff, v36  }
0x212: {  	v36 =	vld.idx.msk [tilespmem:v39+s13+$0x0], $0xffff  }
0x213: {  	v37 =	vadd.s32 s22, v3  }
0x214: {  	v39 =	vor.u32 v4, v38;
	_ =	sdelay $0x3  }
0x215: {  	[tilespmem:v37+s16+$0x0] =	vst.idx.msk $0xffff, v36  }
0x216: {  	v36 =	vld.idx.msk [tilespmem:v39+s13+$0x0], $0xffff  }
0x217: {  	v37 =	vadd.s32 s22, v5  }
0x218: {  	v38 =	vor.u32 v6, v38;
	_ =	sdelay $0x3  }
0x219: {  	s24 =	sadd.s32 $0x1, s22;
	[tilespmem:v37+s16+$0x0] =	vst.idx.msk $0xffff, v36  }
0x21a: {  	v37 =	vmov s24;
	v36 =	vld.idx.msk [tilespmem:v38+s13+$0x0], $0xffff  }
0x21b: {  	v38 =	vadd.s32 s22, v7;
	v39 =	vshll.u32 v37, $0x6  }
0x21c: {  	v40 =	vor.u32 v0, v39;
	_ =	sdelay $0x3  }
0x21d: {  	[tilespmem:v38+s16+$0x0] =	vst.idx.msk $0xffff, v36  }
0x21e: {  	v37 =	vand.u32 $0x78, v37;
	v36 =	vld.idx.msk [tilespmem:v40+s13+$0x0], $0xffff  }
0x21f: {  	v38 =	vadd.s32 v8, v37  }
0x220: {  	v40 =	vor.u32 v2, v39;
	_ =	sdelay $0x3  }
0x221: {  	[tilespmem:v38+s16+$0x0] =	vst.idx.msk $0xffff, v36  }
0x222: {  	v36 =	vld.idx.msk [tilespmem:v40+s13+$0x0], $0xffff  }
0x223: {  	v38 =	vadd.s32 v9, v37  }
0x224: {  	v40 =	vor.u32 v4, v39;
	_ =	sdelay $0x3  }
0x225: {  	[tilespmem:v38+s16+$0x0] =	vst.idx.msk $0xffff, v36  }
0x226: {  	v36 =	vld.idx.msk [tilespmem:v40+s13+$0x0], $0xffff  }
0x227: {  	v38 =	vadd.s32 v10, v37  }
0x228: {  	v39 =	vor.u32 v6, v39;
	_ =	sdelay $0x3  }
0x229: {  	s24 =	sadd.s32 $0x2, s22;
	[tilespmem:v38+s16+$0x0] =	vst.idx.msk $0xffff, v36  }
0x22a: {  	v38 =	vmov s24;
	v36 =	vld.idx.msk [tilespmem:v39+s13+$0x0], $0xffff  }
0x22b: {  	v37 =	vadd.s32 v11, v37;
	v39 =	vshll.u32 v38, $0x6  }
0x22c: {  	v40 =	vor.u32 v0, v39;
	_ =	sdelay $0x3  }
0x22d: {  	[tilespmem:v37+s16+$0x0] =	vst.idx.msk $0xffff, v36  }
0x22e: {  	v37 =	vand.u32 $0x78, v38;
	v36 =	vld.idx.msk [tilespmem:v40+s13+$0x0], $0xffff  }
0x22f: {  	v38 =	vadd.s32 v12, v37  }
0x230: {  	v40 =	vor.u32 v2, v39;
	_ =	sdelay $0x3  }
0x231: {  	[tilespmem:v38+s16+$0x0] =	vst.idx.msk $0xffff, v36  }
0x232: {  	v36 =	vld.idx.msk [tilespmem:v40+s13+$0x0], $0xffff  }
0x233: {  	v38 =	vadd.s32 v13, v37  }
0x234: {  	v40 =	vor.u32 v4, v39;
	_ =	sdelay $0x3  }
0x235: {  	[tilespmem:v38+s16+$0x0] =	vst.idx.msk $0xffff, v36  }
0x236: {  	v36 =	vld.idx.msk [tilespmem:v40+s13+$0x0], $0xffff  }
0x237: {  	v38 =	vadd.s32 v14, v37  }
0x238: {  	v39 =	vor.u32 v6, v39;
	_ =	sdelay $0x3  }
0x239: {  	s24 =	sadd.s32 $0x3, s22;
	[tilespmem:v38+s16+$0x0] =	vst.idx.msk $0xffff, v36  }
0x23a: {  	v38 =	vmov s24;
	v36 =	vld.idx.msk [tilespmem:v39+s13+$0x0], $0xffff  }
0x23b: {  	v37 =	vadd.s32 v15, v37;
	v39 =	vshll.u32 v38, $0x6  }
0x23c: {  	v40 =	vor.u32 v0, v39;
	_ =	sdelay $0x3  }
0x23d: {  	[tilespmem:v37+s16+$0x0] =	vst.idx.msk $0xffff, v36  }
0x23e: {  	v37 =	vand.u32 $0x78, v38;
	v36 =	vld.idx.msk [tilespmem:v40+s13+$0x0], $0xffff  }
0x23f: {  	v38 =	vadd.s32 v16, v37  }
0x240: {  	v40 =	vor.u32 v2, v39;
	_ =	sdelay $0x3  }
0x241: {  	[tilespmem:v38+s16+$0x0] =	vst.idx.msk $0xffff, v36  }
0x242: {  	v36 =	vld.idx.msk [tilespmem:v40+s13+$0x0], $0xffff  }
0x243: {  	v38 =	vadd.s32 v17, v37  }
0x244: {  	v40 =	vor.u32 v4, v39;
	_ =	sdelay $0x3  }
0x245: {  	[tilespmem:v38+s16+$0x0] =	vst.idx.msk $0xffff, v36  }
0x246: {  	v36 =	vld.idx.msk [tilespmem:v40+s13+$0x0], $0xffff  }
0x247: {  	v38 =	vadd.s32 v18, v37  }
0x248: {  	v39 =	vor.u32 v6, v39;
	_ =	sdelay $0x3  }
0x249: {  	s24 =	sadd.s32 $0x4, s22;
	[tilespmem:v38+s16+$0x0] =	vst.idx.msk $0xffff, v36  }
0x24a: {  	v38 =	vmov s24;
	v36 =	vld.idx.msk [tilespmem:v39+s13+$0x0], $0xffff  }
0x24b: {  	v37 =	vadd.s32 v19, v37;
	v39 =	vshll.u32 v38, $0x6  }
0x24c: {  	v40 =	vor.u32 v0, v39;
	_ =	sdelay $0x3  }
0x24d: {  	[tilespmem:v37+s16+$0x0] =	vst.idx.msk $0xffff, v36  }
0x24e: {  	v37 =	vand.u32 $0x78, v38;
	v36 =	vld.idx.msk [tilespmem:v40+s13+$0x0], $0xffff  }
0x24f: {  	v38 =	vadd.s32 v20, v37  }
0x250: {  	v40 =	vor.u32 v2, v39;
	_ =	sdelay $0x3  }
0x251: {  	[tilespmem:v38+s16+$0x0] =	vst.idx.msk $0xffff, v36  }
0x252: {  	v36 =	vld.idx.msk [tilespmem:v40+s13+$0x0], $0xffff  }
0x253: {  	v38 =	vadd.s32 v21, v37  }
0x254: {  	v40 =	vor.u32 v4, v39;
	_ =	sdelay $0x3  }
0x255: {  	[tilespmem:v38+s16+$0x0] =	vst.idx.msk $0xffff, v36  }
0x256: {  	v36 =	vld.idx.msk [tilespmem:v40+s13+$0x0], $0xffff  }
0x257: {  	v38 =	vadd.s32 v22, v37  }
0x258: {  	v39 =	vor.u32 v6, v39;
	_ =	sdelay $0x3  }
0x259: {  	s24 =	sadd.s32 $0x5, s22;
	[tilespmem:v38+s16+$0x0] =	vst.idx.msk $0xffff, v36  }
0x25a: {  	v38 =	vmov s24;
	v36 =	vld.idx.msk [tilespmem:v39+s13+$0x0], $0xffff  }
0x25b: {  	v37 =	vadd.s32 v23, v37;
	v39 =	vshll.u32 v38, $0x6  }
0x25c: {  	v40 =	vor.u32 v0, v39;
	_ =	sdelay $0x3  }
0x25d: {  	[tilespmem:v37+s16+$0x0] =	vst.idx.msk $0xffff, v36  }
0x25e: {  	v37 =	vand.u32 $0x78, v38;
	v36 =	vld.idx.msk [tilespmem:v40+s13+$0x0], $0xffff  }
0x25f: {  	v38 =	vadd.s32 v24, v37  }
0x260: {  	v40 =	vor.u32 v2, v39;
	_ =	sdelay $0x3  }
0x261: {  	[tilespmem:v38+s16+$0x0] =	vst.idx.msk $0xffff, v36  }
0x262: {  	v36 =	vld.idx.msk [tilespmem:v40+s13+$0x0], $0xffff  }
0x263: {  	v38 =	vadd.s32 v25, v37  }
0x264: {  	v40 =	vor.u32 v4, v39;
	_ =	sdelay $0x3  }
0x265: {  	[tilespmem:v38+s16+$0x0] =	vst.idx.msk $0xffff, v36  }
0x266: {  	v36 =	vld.idx.msk [tilespmem:v40+s13+$0x0], $0xffff  }
0x267: {  	v38 =	vadd.s32 v26, v37  }
0x268: {  	v39 =	vor.u32 v6, v39;
	_ =	sdelay $0x3  }
0x269: {  	s24 =	sadd.s32 $0x6, s22;
	[tilespmem:v38+s16+$0x0] =	vst.idx.msk $0xffff, v36  }
0x26a: {  	v38 =	vmov s24;
	v36 =	vld.idx.msk [tilespmem:v39+s13+$0x0], $0xffff  }
0x26b: {  	v37 =	vadd.s32 v27, v37;
	v39 =	vshll.u32 v38, $0x6  }
0x26c: {  	v40 =	vor.u32 v0, v39;
	_ =	sdelay $0x3  }
0x26d: {  	[tilespmem:v37+s16+$0x0] =	vst.idx.msk $0xffff, v36  }
0x26e: {  	v37 =	vand.u32 $0x78, v38;
	v36 =	vld.idx.msk [tilespmem:v40+s13+$0x0], $0xffff  }
0x26f: {  	v38 =	vadd.s32 v28, v37  }
0x270: {  	v40 =	vor.u32 v2, v39;
	_ =	sdelay $0x3  }
0x271: {  	[tilespmem:v38+s16+$0x0] =	vst.idx.msk $0xffff, v36  }
0x272: {  	v36 =	vld.idx.msk [tilespmem:v40+s13+$0x0], $0xffff  }
0x273: {  	v38 =	vadd.s32 v29, v37  }
0x274: {  	v40 =	vor.u32 v4, v39;
	_ =	sdelay $0x3  }
0x275: {  	[tilespmem:v38+s16+$0x0] =	vst.idx.msk $0xffff, v36  }
0x276: {  	v36 =	vld.idx.msk [tilespmem:v40+s13+$0x0], $0xffff  }
0x277: {  	v38 =	vadd.s32 v30, v37  }
0x278: {  	v39 =	vor.u32 v6, v39;
	_ =	sdelay $0x3  }
0x279: {  	s24 =	sadd.s32 $0x7, s22;
	s22 =	smov.u32 s23;
	[tilespmem:v38+s16+$0x0] =	vst.idx.msk $0xffff, v36  }
0x27a: {  	v38 =	vmov s24;
	v36 =	vld.idx.msk [tilespmem:v39+s13+$0x0], $0xffff  }
0x27b: {  	v37 =	vadd.s32 v31, v37;
	v39 =	vshll.u32 v38, $0x6  }
0x27c: {  	v40 =	vor.u32 v0, v39;
	_ =	sdelay $0x3  }
0x27d: {  	[tilespmem:v37+s16+$0x0] =	vst.idx.msk $0xffff, v36  }
0x27e: {  	v36 =	vand.u32 $0x78, v38;
	v37 =	vld.idx.msk [tilespmem:v40+s13+$0x0], $0xffff  }
0x27f: {  	v38 =	vadd.s32 v32, v36  }
0x280: {  	v40 =	vor.u32 v2, v39;
	_ =	sdelay $0x3  }
0x281: {  	[tilespmem:v38+s16+$0x0] =	vst.idx.msk $0xffff, v37  }
0x282: {  	v37 =	vld.idx.msk [tilespmem:v40+s13+$0x0], $0xffff  }
0x283: {  	v38 =	vadd.s32 v33, v36  }
0x284: {  	v40 =	vor.u32 v4, v39;
	_ =	sdelay $0x3  }
0x285: {  	[tilespmem:v38+s16+$0x0] =	vst.idx.msk $0xffff, v37  }
0x286: {  	v37 =	vld.idx.msk [tilespmem:v40+s13+$0x0], $0xffff  }
0x287: {  	v38 =	vadd.s32 v34, v36  }
0x288: {  	v39 =	vor.u32 v6, v39  }
.Ltmp2:
0x289: {  	(pc) =	sbr.rel @p0 .LBB2_7-.Ltmp2, $3  }
0x28a: {  	_ =	sdelay $0x1  }
0x28b: {  	[tilespmem:v38+s16+$0x0] =	vst.idx.msk $0xffff, v37  }
0x28c: {  	s23 =	sadd.s32 $0x8, s23;
	v38 =	vmov s22;
	v37 =	vld.idx.msk [tilespmem:v39+s13+$0x0], $0xffff  }
0x28d: {  	v38 =	vshll.u32 v38, $0x6;
	v36 =	vadd.s32 v35, v36  }
0x28e: {  	v39 =	vor.u32 v0, v38;
	_ =	sdelay $0x3  }
0x28f: {  	[tilespmem:v36+s16+$0x0] =	vst.idx.msk $0xffff, v37  }
0x290: {  	v52 =	vadd.s32 s22, v1;
	v36 =	vld.idx.msk [tilespmem:v39+s13+$0x0], $0xffff  }
0x291: {  	v53 =	vor.u32 v2, v38;
	_ =	sdelay $0x3  }
0x292: {  	[tilespmem:v52+s16+$0x0] =	vst.idx.msk $0xffff, v36  }
0x293: {  	v54 =	vadd.s32 s22, v3;
	v36 =	vld.idx.msk [tilespmem:v53+s13+$0x0], $0xffff  }
0x294: {  	v55 =	vor.u32 v4, v38;
	_ =	sdelay $0x3  }
0x295: {  	[tilespmem:v54+s16+$0x0] =	vst.idx.msk $0xffff, v36  }
0x296: {  	v56 =	vadd.s32 s22, v5;
	v36 =	vld.idx.msk [tilespmem:v55+s13+$0x0], $0xffff  }
0x297: {  	v38 =	vor.u32 v6, v38;
	_ =	sdelay $0x2  }
0x298: {  	s23 =	sadd.s32 $0x1, s22  }
0x299: {  	v57 =	vmov s23;
	[tilespmem:v56+s16+$0x0] =	vst.idx.msk $0xffff, v36  }
0x29a: {  	v58 =	vadd.s32 s22, v7;
	v59 =	vshll.u32 v57, $0x6;
	v37 =	vld.idx.msk [tilespmem:v38+s13+$0x0], $0xffff  }
0x29b: {  	v40 =	vor.u32 v0, v59;
	_ =	sdelay $0x3  }
0x29c: {  	v36 =	vand.u32 $0x78, v57;
	[tilespmem:v58+s16+$0x0] =	vst.idx.msk $0xffff, v37  }
0x29d: {  	v60 =	vadd.s32 v8, v36;
	v37 =	vld.idx.msk [tilespmem:v40+s13+$0x0], $0xffff  }
0x29e: {  	v61 =	vor.u32 v2, v59;
	_ =	sdelay $0x3  }
0x29f: {  	[tilespmem:v60+s16+$0x0] =	vst.idx.msk $0xffff, v37  }
0x2a0: {  	v62 =	vadd.s32 v9, v36;
	v37 =	vld.idx.msk [tilespmem:v61+s13+$0x0], $0xffff  }
0x2a1: {  	v63 =	vor.u32 v4, v59;
	_ =	sdelay $0x3  }
0x2a2: {  	[tilespmem:v62+s16+$0x0] =	vst.idx.msk $0xffff, v37  }
0x2a3: {  	v44 =	vadd.s32 v10, v36;
	v37 =	vld.idx.msk [tilespmem:v63+s13+$0x0], $0xffff  }
0x2a4: {  	v39 =	vor.u32 v6, v59;
	_ =	sdelay $0x2  }
0x2a5: {  	s28 =	sadd.s32 $0x2, s22  }
0x2a6: {  	v45 =	vmov s28;
	[tilespmem:v44+s16+$0x0] =	vst.idx.msk $0xffff, v37  }
0x2a7: {  	v46 =	vshll.u32 v45, $0x6;
	v36 =	vadd.s32 v11, v36;
	v38 =	vld.idx.msk [tilespmem:v39+s13+$0x0], $0xffff  }
0x2a8: {  	v47 =	vor.u32 v0, v46;
	_ =	sdelay $0x3  }
0x2a9: {  	v48 =	vand.u32 $0x78, v45;
	[tilespmem:v36+s16+$0x0] =	vst.idx.msk $0xffff, v38  }
0x2aa: {  	v50 =	vadd.s32 v12, v48;
	v49 =	vld.idx.msk [tilespmem:v47+s13+$0x0], $0xffff  }
0x2ab: {  	v51 =	vor.u32 v2, v46;
	_ =	sdelay $0x3  }
0x2ac: {  	[tilespmem:v50+s16+$0x0] =	vst.idx.msk $0xffff, v49  }
0x2ad: {  	v52 =	vadd.s32 v13, v48;
	v37 =	vld.idx.msk [tilespmem:v51+s13+$0x0], $0xffff  }
0x2ae: {  	v53 =	vor.u32 v4, v46;
	_ =	sdelay $0x3  }
0x2af: {  	[tilespmem:v52+s16+$0x0] =	vst.idx.msk $0xffff, v37  }
0x2b0: {  	v54 =	vadd.s32 v14, v48;
	v37 =	vld.idx.msk [tilespmem:v53+s13+$0x0], $0xffff  }
0x2b1: {  	v39 =	vor.u32 v6, v46;
	_ =	sdelay $0x2  }
0x2b2: {  	s29 =	sadd.s32 $0x3, s22  }
0x2b3: {  	v55 =	vmov s29;
	[tilespmem:v54+s16+$0x0] =	vst.idx.msk $0xffff, v37  }
0x2b4: {  	v56 =	vshll.u32 v55, $0x6;
	v36 =	vadd.s32 v15, v48;
	v38 =	vld.idx.msk [tilespmem:v39+s13+$0x0], $0xffff  }
0x2b5: {  	v57 =	vor.u32 v0, v56;
	_ =	sdelay $0x3  }
0x2b6: {  	v58 =	vand.u32 $0x78, v55;
	[tilespmem:v36+s16+$0x0] =	vst.idx.msk $0xffff, v38  }
0x2b7: {  	v60 =	vadd.s32 v16, v58;
	v59 =	vld.idx.msk [tilespmem:v57+s13+$0x0], $0xffff  }
0x2b8: {  	v61 =	vor.u32 v2, v56;
	_ =	sdelay $0x3  }
0x2b9: {  	[tilespmem:v60+s16+$0x0] =	vst.idx.msk $0xffff, v59  }
0x2ba: {  	v62 =	vadd.s32 v17, v58;
	v37 =	vld.idx.msk [tilespmem:v61+s13+$0x0], $0xffff  }
0x2bb: {  	v63 =	vor.u32 v4, v56;
	_ =	sdelay $0x3  }
0x2bc: {  	[tilespmem:v62+s16+$0x0] =	vst.idx.msk $0xffff, v37  }
0x2bd: {  	v44 =	vadd.s32 v18, v58;
	v37 =	vld.idx.msk [tilespmem:v63+s13+$0x0], $0xffff  }
0x2be: {  	v39 =	vor.u32 v6, v56;
	_ =	sdelay $0x2  }
0x2bf: {  	s30 =	sadd.s32 $0x4, s22  }
0x2c0: {  	v45 =	vmov s30;
	[tilespmem:v44+s16+$0x0] =	vst.idx.msk $0xffff, v37  }
0x2c1: {  	v46 =	vshll.u32 v45, $0x6;
	v36 =	vadd.s32 v19, v58;
	v38 =	vld.idx.msk [tilespmem:v39+s13+$0x0], $0xffff  }
0x2c2: {  	v47 =	vor.u32 v0, v46;
	_ =	sdelay $0x3  }
0x2c3: {  	v48 =	vand.u32 $0x78, v45;
	[tilespmem:v36+s16+$0x0] =	vst.idx.msk $0xffff, v38  }
0x2c4: {  	v50 =	vadd.s32 v20, v48;
	v49 =	vld.idx.msk [tilespmem:v47+s13+$0x0], $0xffff  }
0x2c5: {  	v51 =	vor.u32 v2, v46;
	_ =	sdelay $0x3  }
0x2c6: {  	[tilespmem:v50+s16+$0x0] =	vst.idx.msk $0xffff, v49  }
0x2c7: {  	v52 =	vadd.s32 v21, v48;
	v37 =	vld.idx.msk [tilespmem:v51+s13+$0x0], $0xffff  }
0x2c8: {  	v53 =	vor.u32 v4, v46;
	_ =	sdelay $0x3  }
0x2c9: {  	[tilespmem:v52+s16+$0x0] =	vst.idx.msk $0xffff, v37  }
0x2ca: {  	v54 =	vadd.s32 v22, v48;
	v37 =	vld.idx.msk [tilespmem:v53+s13+$0x0], $0xffff  }
0x2cb: {  	v39 =	vor.u32 v6, v46;
	_ =	sdelay $0x2  }
0x2cc: {  	s31 =	sadd.s32 $0x5, s22  }
0x2cd: {  	v55 =	vmov s31;
	[tilespmem:v54+s16+$0x0] =	vst.idx.msk $0xffff, v37  }
0x2ce: {  	v56 =	vshll.u32 v55, $0x6;
	v36 =	vadd.s32 v23, v48;
	v38 =	vld.idx.msk [tilespmem:v39+s13+$0x0], $0xffff  }
0x2cf: {  	v57 =	vor.u32 v0, v56;
	_ =	sdelay $0x3  }
0x2d0: {  	v58 =	vand.u32 $0x78, v55;
	[tilespmem:v36+s16+$0x0] =	vst.idx.msk $0xffff, v38  }
0x2d1: {  	v60 =	vadd.s32 v24, v58;
	v59 =	vld.idx.msk [tilespmem:v57+s13+$0x0], $0xffff  }
0x2d2: {  	v61 =	vor.u32 v2, v56;
	_ =	sdelay $0x3  }
0x2d3: {  	[tilespmem:v60+s16+$0x0] =	vst.idx.msk $0xffff, v59  }
0x2d4: {  	v62 =	vadd.s32 v25, v58;
	v37 =	vld.idx.msk [tilespmem:v61+s13+$0x0], $0xffff  }
0x2d5: {  	v63 =	vor.u32 v4, v56;
	_ =	sdelay $0x3  }
0x2d6: {  	[tilespmem:v62+s16+$0x0] =	vst.idx.msk $0xffff, v37  }
0x2d7: {  	v43 =	vadd.s32 v26, v58;
	v37 =	vld.idx.msk [tilespmem:v63+s13+$0x0], $0xffff  }
0x2d8: {  	v39 =	vor.u32 v6, v56;
	_ =	sdelay $0x2  }
0x2d9: {  	s24 =	sadd.s32 $0x6, s22  }
0x2da: {  	v44 =	vmov s24;
	[tilespmem:v43+s16+$0x0] =	vst.idx.msk $0xffff, v37  }
0x2db: {  	v45 =	vshll.u32 v44, $0x6;
	v36 =	vadd.s32 v27, v58;
	v38 =	vld.idx.msk [tilespmem:v39+s13+$0x0], $0xffff  }
0x2dc: {  	v46 =	vor.u32 v0, v45;
	_ =	sdelay $0x3  }
0x2dd: {  	v47 =	vand.u32 $0x78, v44;
	[tilespmem:v36+s16+$0x0] =	vst.idx.msk $0xffff, v38  }
0x2de: {  	v49 =	vadd.s32 v28, v47;
	v48 =	vld.idx.msk [tilespmem:v46+s13+$0x0], $0xffff  }
0x2df: {  	v50 =	vor.u32 v2, v45;
	_ =	sdelay $0x3  }
0x2e0: {  	[tilespmem:v49+s16+$0x0] =	vst.idx.msk $0xffff, v48  }
0x2e1: {  	v51 =	vadd.s32 v29, v47;
	v37 =	vld.idx.msk [tilespmem:v50+s13+$0x0], $0xffff  }
0x2e2: {  	v52 =	vor.u32 v4, v45;
	_ =	sdelay $0x3  }
0x2e3: {  	[tilespmem:v51+s16+$0x0] =	vst.idx.msk $0xffff, v37  }
0x2e4: {  	v53 =	vadd.s32 v30, v47;
	v37 =	vld.idx.msk [tilespmem:v52+s13+$0x0], $0xffff  }
0x2e5: {  	v39 =	vor.u32 v6, v45;
	_ =	sdelay $0x2  }
0x2e6: {  	s25 =	sadd.s32 $0x7, s22  }
0x2e7: {  	v54 =	vmov s25;
	[tilespmem:v53+s16+$0x0] =	vst.idx.msk $0xffff, v37  }
0x2e8: {  	v55 =	vshll.u32 v54, $0x6;
	v36 =	vadd.s32 v31, v47;
	v38 =	vld.idx.msk [tilespmem:v39+s13+$0x0], $0xffff  }
0x2e9: {  	v56 =	vor.u32 v0, v55;
	_ =	sdelay $0x3  }
0x2ea: {  	v57 =	vand.u32 $0x78, v54;
	[tilespmem:v36+s16+$0x0] =	vst.idx.msk $0xffff, v38  }
0x2eb: {  	v59 =	vadd.s32 v32, v57;
	v58 =	vld.idx.msk [tilespmem:v56+s13+$0x0], $0xffff  }
0x2ec: {  	v60 =	vor.u32 v2, v55;
	_ =	sdelay $0x3  }
0x2ed: {  	[tilespmem:v59+s16+$0x0] =	vst.idx.msk $0xffff, v58  }
0x2ee: {  	v61 =	vadd.s32 v33, v57;
	v37 =	vld.idx.msk [tilespmem:v60+s13+$0x0], $0xffff  }
0x2ef: {  	v62 =	vor.u32 v4, v55;
	_ =	sdelay $0x3  }
0x2f0: {  	[tilespmem:v61+s16+$0x0] =	vst.idx.msk $0xffff, v37  }
0x2f1: {  	v63 =	vadd.s32 v34, v57;
	v37 =	vld.idx.msk [tilespmem:v62+s13+$0x0], $0xffff  }
0x2f2: {  	v39 =	vor.u32 v6, v55;
	_ =	sdelay $0x3  }
0x2f3: {  	[tilespmem:v63+s16+$0x0] =	vst.idx.msk $0xffff, v37  }
0x2f4: {  	v36 =	vadd.s32 v35, v57;
	v37 =	vld.idx.msk [tilespmem:v39+s13+$0x0], $0xffff;
	_ =	sdelay $0x1  }
0x2f5: {  	s21 =	sshll.u32 s21, $0x12  }
0x2f6: {  	s21 =	sor.u32 s6, s21  }
0x2f7: {  	s21 =	sshrl.u32 s21, $0x3  }
0x2f8: {  	s26 =	simm.s32 $0xC600;
	s22 =	sadd.s32 s1, s21;
	[tilespmem:v36+s16+$0x0] =	vst.idx.msk $0xffff, v37  }
0x2f9: {  	[hbm4b:s22+s3] =	stream.linear.scatter [tilespmem:s26], [sflag:$0x4], $0x80, $0x38;
	[tilespmem:$0xE800] =	vst v63  }
0x2fa: {  	s28 =	simm.s32 $0xC688;
	s29 =	sadd.s32 $0x10, s22  }
0x2fb: {  	[hbm4b:s29+s3] =	stream.linear.scatter [tilespmem:s28], [sflag:$0x4], $0x80, $0x38;
	[tilespmem:$0xE800] =	vst v63  }
0x2fc: {  	s23 =	simm.s32 $0xC798;
	s30 =	simm.s32 $0xC710;
	s31 =	sadd.s32 $0x20, s22  }
0x2fd: {  	[hbm4b:s31+s3] =	stream.linear.scatter [tilespmem:s30], [sflag:$0x4], $0x80, $0x38;
	[tilespmem:$0xE800] =	vst v63  }
0x2fe: {  	s21 =	simm.s32 $0x440;
	s24 =	sadd.s32 $0x30, s22;
	s25 =	simm.s32 $0xC820  }
0x2ff: {  	[hbm4b:s24+s3] =	stream.linear.scatter [tilespmem:s23], [sflag:$0x4], $0x80, $0x38;
	[tilespmem:$0xE800] =	vst v63  }
0x300: {  	s26 =	sadd.s32 $0x40, s22;
	s28 =	simm.s32 $0xC8A8;
	s29 =	sadd.s32 $0x50, s22  }
0x301: {  	[hbm4b:s26+s3] =	stream.linear.scatter [tilespmem:s25], [sflag:$0x4], $0x80, $0x38;
	[tilespmem:$0xE800] =	vst v63  }
0x302: {  	s30 =	simm.s32 $0xC930;
	s31 =	sadd.s32 $0x60, s22;
	s23 =	simm.s32 $0x2200  }
0x303: {  	[hbm4b:s29+s3] =	stream.linear.scatter [tilespmem:s28], [sflag:$0x4], $0x80, $0x38;
	[tilespmem:$0xE800] =	vst v63  }
0x304: {  	s24 =	simm.s32 $0xC9B8;
	s25 =	sadd.s32 $0x70, s22;
	s22 =	sadd.s32 $0x1000, s22  }
0x305: {  	[hbm4b:s31+s3] =	stream.linear.scatter [tilespmem:s30], [sflag:$0x4], $0x80, $0x38;
	[tilespmem:$0xE800] =	vst v63  }
.LBB2_9:
0x306: {  	[hbm4b:s25+s3] =	stream.linear.scatter [tilespmem:s24], [sflag:$0x4], $0x80, $0x38;
	[tilespmem:$0xE800] =	vst v63  }
0x307: {  	s24 =	smov.u32 s21;
	s21 =	smov.u32 s23  }
0x308: {  	s26 =	sadd.s32 $0x1100, s23;
	s21 =	sshra.s32 s21, $0x2;
	s25 =	sadd.s32 $0xC600, s24  }
0x309: {  	[hbm4b:s22+s3] =	stream.linear.scatter [tilespmem:s25], [sflag:$0x4], $0x80, $0x38;
	[tilespmem:$0xE800] =	vst v63  }
0x30a: {  	p0 =	sne.s32 s23, $0x7700;
	s23 =	sadd.s32 $0xC688, s24;
	s25 =	sadd.s32 $0x10, s22  }
0x30b: {  	[hbm4b:s25+s3] =	stream.linear.scatter [tilespmem:s23], [sflag:$0x4], $0x80, $0x38;
	[tilespmem:$0xE800] =	vst v63  }
0x30c: {  	s23 =	sadd.s32 $0xC710, s24;
	s25 =	sadd.s32 $0x20, s22  }
0x30d: {  	[hbm4b:s25+s3] =	stream.linear.scatter [tilespmem:s23], [sflag:$0x4], $0x80, $0x38;
	[tilespmem:$0xE800] =	vst v63  }
0x30e: {  	s23 =	sadd.s32 $0xC798, s24;
	s25 =	sadd.s32 $0x30, s22  }
0x30f: {  	[hbm4b:s25+s3] =	stream.linear.scatter [tilespmem:s23], [sflag:$0x4], $0x80, $0x38;
	[tilespmem:$0xE800] =	vst v63  }
0x310: {  	s23 =	sadd.s32 $0xC820, s24;
	s25 =	sadd.s32 $0x40, s22  }
0x311: {  	[hbm4b:s25+s3] =	stream.linear.scatter [tilespmem:s23], [sflag:$0x4], $0x80, $0x38;
	[tilespmem:$0xE800] =	vst v63  }
.Ltmp3:
0x312: {  	s23 =	sadd.s32 $0xC8A8, s24;
	s25 =	sadd.s32 $0x50, s22;
	(pc) =	sbr.rel @p0 .LBB2_9-.Ltmp3, $4  }
0x313: {  	[hbm4b:s25+s3] =	stream.linear.scatter [tilespmem:s23], [sflag:$0x4], $0x80, $0x38;
	[tilespmem:$0xE800] =	vst v63  }
0x314: {  	s23 =	sadd.s32 $0xC930, s24;
	s25 =	sadd.s32 $0x60, s22;
	s24 =	sadd.s32 $0xC9B8, s24  }
0x315: {  	[hbm4b:s25+s3] =	stream.linear.scatter [tilespmem:s23], [sflag:$0x4], $0x80, $0x38;
	[tilespmem:$0xE800] =	vst v63  }
0x316: {  	s25 =	sadd.s32 $0x70, s22;
	s22 =	sadd.s32 $0x1000, s22;
	s23 =	smov.u32 s26  }
0x317: {  	[hbm4b:s25+s3] =	stream.linear.scatter [tilespmem:s24], [sflag:$0x4], $0x80, $0x38;
	[tilespmem:$0xE800] =	vst v63  }
0x318: {  	s23 =	sadd.s32 $0xC600, s21  }
0x319: {  	[hbm4b:s22+s3] =	stream.linear.scatter [tilespmem:s23], [sflag:$0x4], $0x80, $0x38;
	[tilespmem:$0xE800] =	vst v63  }
0x31a: {  	s30 =	sadd.s32 $0xC688, s21;
	s31 =	sadd.s32 $0x10, s22  }
0x31b: {  	[hbm4b:s31+s3] =	stream.linear.scatter [tilespmem:s30], [sflag:$0x4], $0x80, $0x38;
	[tilespmem:$0xE800] =	vst v63  }
0x31c: {  	s25 =	sadd.s32 $0xC710, s21;
	s26 =	sadd.s32 $0x20, s22  }
0x31d: {  	[hbm4b:s26+s3] =	stream.linear.scatter [tilespmem:s25], [sflag:$0x4], $0x80, $0x38;
	[tilespmem:$0xE800] =	vst v63  }
0x31e: {  	s28 =	sadd.s32 $0xC798, s21;
	s29 =	sadd.s32 $0x30, s22  }
0x31f: {  	[hbm4b:s29+s3] =	stream.linear.scatter [tilespmem:s28], [sflag:$0x4], $0x80, $0x38;
	[tilespmem:$0xE800] =	vst v63  }
0x320: {  	s20 =	sadd.s32 $0x1, s20;
	s30 =	sadd.s32 $0xC820, s21;
	s31 =	sadd.s32 $0x40, s22  }
0x321: {  	[hbm4b:s31+s3] =	stream.linear.scatter [tilespmem:s30], [sflag:$0x4], $0x80, $0x38;
	[tilespmem:$0xE800] =	vst v63  }
0x322: {  	p0 =	sne.s32 s20, $0x64;
	s25 =	sadd.s32 $0xC8A8, s21;
	s26 =	sadd.s32 $0x50, s22  }
0x323: {  	[hbm4b:s26+s3] =	stream.linear.scatter [tilespmem:s25], [sflag:$0x4], $0x80, $0x38;
	[tilespmem:$0xE800] =	vst v63  }
.Ltmp4:
0x324: {  	_ = 	snop;
	(pc) =	sbr.rel @p0 .LBB2_2-.Ltmp4, $4  }
0x325: {  	s28 =	sadd.s32 $0xC930, s21;
	s29 =	sadd.s32 $0x60, s22  }
0x326: {  	[hbm4b:s29+s3] =	stream.linear.scatter [tilespmem:s28], [sflag:$0x4], $0x80, $0x38;
	[tilespmem:$0xE800] =	vst v63  }
0x327: {  	s30 =	sadd.s32 $0xC9B8, s21;
	s31 =	sadd.s32 $0x70, s22  }
0x328: {  	[hbm4b:s31+s3] =	stream.linear.scatter [tilespmem:s30], [sflag:$0x4], $0x80, $0x38;
	[tilespmem:$0xE800] =	vst v63  }
0x329: {  	s19 =	sadd.s32 $0x1, s19  }
0x32a: {  	_ =	swait.ge [sflag:s17], $0x2000;
	p0 =	sne.s32 s19, s7  }
.Ltmp5:
0x32b: {  	[sflag:s17] =	ssyncset.done $0x0;
	(pc) =	sbr.rel @p0 .LBB2_1-.Ltmp5, $4  }
0x32c: {  	[sflag:s17] =	ssyncadd.s32 $0xFFFFE000  }
0x32d: {  	_ =	swait.ge [sflag:s18], $0x2000  }
0x32e: {  	[sflag:s18] =	ssyncset.done $0x0  }
0x32f: {  	[sflag:s18] =	ssyncadd.s32 $0xFFFFE000  }
0x330: {  	_ =	sfence.sel $0x180000  }
0x331: {  	[bflag:$0x0] =	sbarrier.arrive $0xFFFF  }
0x332: {  	p0 =	sne.s32 s2, $0x0;
	_ =	strace $0x90000047  }
0x333: {  	s0 =	sadd.s32 @!p0 $0x100000, s0;
	[bflag:$0x2] =	sbarrier.arrive $0xFFFF  }
0x334: {  	[sflag:s0] =	ssyncadd.tile.s32 @!p0 $0x1;
	_ =	shalt  }
.Lfunc_end2:
_tile_overlayer_lowered:
.L_overlay_start_2:
0x335: {  	(tag) =	ssettag $0x2  }
0x336: {  	s0 =	rddreg [dreg:$0x0];
	s2 =	stileid.u32  }
0x337: {  	s1 =	rddreg [dreg:$0x1];
	p0 =	sne.s32 s2, $0x0  }
0x338: {  	s3 =	rddreg [dreg:$0x2];
	[bflag:$0x3] =	sbarrier.arrive $0xFFFF;
	s2 =	simm.s32 @!p0 $0x1C05  }
0x339: {  	[timem:s3], [sflag:s2] =	dma.local @!p0 [hbm:s0], s1  }
0x33a: {  	s0 =	simm.s32 @!p0 $0x5  }
0x33b: {  	_ =	swait.ge @!p0 [sflag:s0], s1  }
0x33c: {  	s1 =	ssub.s32 @!p0 $0x0, s1;
	[sflag:s0] =	ssyncset.done @!p0 $0x0  }
0x33d: {  	[sflag:s0] =	ssyncadd.s32 @!p0 s1  }
0x33e: {  	[bflag:$0x3] =	sbarrier.arrive $0xFFFF  }
0x33f: {  	_ =	shalt  }

</sc_bundles>
